<compile_context>
chip_gen: v7x
topology: tpu7x:2x2x1
jax: 0.10.2.dev20260603
libtpu: 0.0.44.dev20260713+nightly
codegen_flags: <defaults>
</compile_context>

<pallas_src>
import functools

import jax
import jax.numpy as jnp
from jax import lax
from jax.experimental import pallas as pl
from jax.experimental.pallas import tpu as pltpu
from jax.experimental.pallas import tpu_sc as plsc

_BETA = 0.25
_K = 8192
_D = 256
_N = 8192
_TBLK = 1024
_KBLK = 2048


def _dist_body(z_ref, e_ref, idx_ref, loss_ref, sume_ref, en2_ref, iota_ref):
    i = pl.program_id(0)

    @pl.when(i == 0)
    def _():
        for kb in range(_K // _KBLK):
            e = e_ref[pl.ds(kb * _KBLK, _KBLK), :]
            sume_ref[0, pl.ds(kb * _KBLK, _KBLK)] = jnp.sum(e * e, axis=1)
            en2_ref[pl.ds(kb * _KBLK, _KBLK), :] = -2.0 * e
            iota_ref[0, pl.ds(kb * _KBLK, _KBLK)] = (
                jnp.float32(kb * _KBLK)
                + lax.broadcasted_iota(jnp.int32, (1, _KBLK), 1).astype(jnp.float32)
            )[0]

    z = jnp.transpose(z_ref[0], (1, 0))
    sumz = jnp.sum(z * z, axis=1, keepdims=True)

    run_min = None
    run_idx = None
    for kb in range(_K // _KBLK):
        en2 = en2_ref[pl.ds(kb * _KBLK, _KBLK), :]
        sume = sume_ref[0, pl.ds(kb * _KBLK, _KBLK)]
        mm2 = lax.dot_general(
            z, en2, (((1,), (1,)), ((), ())),
            preferred_element_type=jnp.float32,
        )
        d = sumz + mm2 + sume[None, :]
        m = jnp.min(d, axis=1, keepdims=True)
        iota = iota_ref[0, pl.ds(kb * _KBLK, _KBLK)]
        bidx = jnp.min(jnp.where(d == m, iota[None, :], jnp.float32(_K)),
                       axis=1, keepdims=True)
        if run_min is None:
            run_min, run_idx = m, bidx
        else:
            better = m < run_min
            run_idx = jnp.where(better, bidx, run_idx)
            run_min = jnp.where(better, m, run_min)

    idx_ref[...] = jnp.reshape(run_idx[:, 0], (_TBLK // 128, 128)).astype(jnp.int32)
    part = jnp.sum(run_min)

    @pl.when(i == 0)
    def _():
        loss_ref[0, 0] = part

    @pl.when(i > 0)
    def _():
        loss_ref[0, 0] = loss_ref[0, 0] + part


def _distances_argmin(z3, emb):
    nrows_per_step = _TBLK // 128
    idx, losssum = pl.pallas_call(
        _dist_body,
        grid=(_N // _TBLK,),
        in_specs=[
            pl.BlockSpec((1, _D, _TBLK), lambda i: (i, 0, 0)),
            pl.BlockSpec((_K, _D), lambda i: (0, 0)),
        ],
        out_specs=[
            pl.BlockSpec((nrows_per_step, 128), lambda i: (i, 0)),
            pl.BlockSpec(memory_space=pltpu.SMEM),
        ],
        out_shape=[
            jax.ShapeDtypeStruct((_N // 128, 128), jnp.int32),
            jax.ShapeDtypeStruct((1, 1), jnp.float32),
        ],
        scratch_shapes=[pltpu.VMEM((1, _K), jnp.float32),
                        pltpu.VMEM((_K, _D), jnp.float32),
                        pltpu.VMEM((1, _K), jnp.float32)],
    )(z3, emb)
    return idx, losssum


_NC, _NS = 2, 16
_NW = _NC * _NS
_CH = 128
_NROWS = _N // _CH
_CPW = _NROWS // _NW


@functools.cache
def _make_sc_gather():
    @functools.partial(
        pl.kernel,
        out_type=jax.ShapeDtypeStruct((_NROWS, _CH, _D), jnp.float32),
        mesh=plsc.VectorSubcoreMesh(core_axis_name="c", subcore_axis_name="s",
                                    num_cores=_NC, num_subcores=_NS),
        scratch_types=[
            pltpu.VMEM((_CPW, _CH), jnp.int32),
            pltpu.VMEM((_CPW, _CH, _D), jnp.float32),
            pltpu.SemaphoreType.DMA,
        ],
    )
    def _sc_gather(table_hbm, idx_hbm, out_hbm, idx_v, rows_v, sem):
        wid = lax.axis_index("s") * _NC + lax.axis_index("c")
        base = wid * _CPW
        pltpu.sync_copy(idx_hbm.at[pl.ds(base, _CPW)], idx_v)
        for j in range(_CPW):
            pltpu.async_copy(table_hbm.at[idx_v.at[j]], rows_v.at[j], sem).wait()
        pltpu.sync_copy(rows_v, out_hbm.at[pl.ds(base, _CPW)])

    return _sc_gather


def kernel(z, embedding_weight):
    B, D, H, W = z.shape
    z3 = z.reshape(B, D, H * W)

    idx2d, losssum = _distances_argmin(z3, embedding_weight)
    indices = idx2d.reshape(B, H, W)

    zq_rows = _make_sc_gather()(embedding_weight, idx2d)
    z_q = jnp.transpose(zq_rows.reshape(B, H, W, D), (0, 3, 1, 2))

    loss = (losssum[0, 0] / jnp.float32(_N * _D)) * jnp.float32(_BETA)
    return (z_q, indices, loss)

# --- scband reference (transcript-rebuilt; emitter-appended) ---
"""Pipeline reference for scband-vector-quantizer-27221502722181 (READ-ONLY COPY).

The authoritative reference and input builder live on the scoring server;
editing this copy changes nothing except your own understanding.
"""

import jax, jax.numpy as jnp
import numpy as np

NUM_CODES = 8192
CODE_DIM = 256
COMMITMENT_BETA = 0.25


def setup_inputs(seed: int = 0) -> dict:
    key = jax.random.key(seed)
    k1, k2 = jax.random.split(key)
    z = jax.random.normal(k1, (8, 256, 32, 32), dtype=jnp.float32)
    # nn.init.uniform_(embedding.weight, -1/num_codes, 1/num_codes)
    embedding_weight = jax.random.uniform(
        k2, (NUM_CODES, CODE_DIM), dtype=jnp.float32,
        minval=-1.0 / NUM_CODES, maxval=1.0 / NUM_CODES,
    )
    return {"z": z, "embedding_weight": embedding_weight}


def reference(z, embedding_weight):
    # Faithful eval-mode forward of VectorQuantizer (EMA updates are training-only buffers)
    B, D, H, W = z.shape
    z_flat = jnp.transpose(z, (0, 2, 3, 1)).reshape(-1, D)
    d = (
        jnp.sum(z_flat ** 2, axis=1, keepdims=True)
        - 2.0 * (z_flat @ embedding_weight.T)
        + jnp.sum(embedding_weight ** 2, axis=1, keepdims=True).T
    )
    indices = jnp.argmin(d, axis=1)
    z_q_flat = jnp.take(embedding_weight, indices, axis=0)
    commitment_loss = jnp.mean((z_flat - jax.lax.stop_gradient(z_q_flat)) ** 2)
    z_q_flat_st = z_flat + jax.lax.stop_gradient(z_q_flat - z_flat)
    z_q = jnp.transpose(z_q_flat_st.reshape(B, H, W, D), (0, 3, 1, 2))
    indices = indices.reshape(B, H, W)
    return (z_q, indices, COMMITMENT_BETA * commitment_loss)

if __name__ == "__main__":
    import jax
    _d = setup_inputs()
    print(jax.jit(kernel)(*tuple(_d.values())))

</pallas_src>

<mosaic_0001>
#map = affine_map<(d0, d1) -> (0, 0)>
#map1 = affine_map<(d0, d1) -> (0, 0, 0)>
module attributes {stable_mosaic.version = 14 : i64} {
  func.func @_sc_gather(%arg0: i32, %arg1: i32, %arg2: memref<8192x256xf32, #tpu.memory_space<hbm>>, %arg3: memref<64x128xi32, #tpu.memory_space<hbm>>, %arg4: memref<64x128x256xf32, #tpu.memory_space<hbm>>, %arg5: memref<2x128xi32, #tpu.memory_space<vmem>>, %arg6: memref<2x128x256xf32, #tpu.memory_space<vmem>>, %arg7: memref<!tpu.dma_semaphore, #tpu.memory_space<semaphore_mem>>) attributes {dimension_semantics = [#tpu.dimension_semantics<core_parallel>, #tpu.dimension_semantics<subcore_parallel>], iteration_bounds = array<i64: 2, 16>, scalar_prefetch = 0 : i64, scratch_operands = 3 : i64, tpu.core_type = #tpu.core_type<sc_vector_subcore>, window_params = [{transform_indices = #map}, {transform_indices = #map}, {transform_indices = #map1}]} {
    %mul3A = arith.constant 2 : i32
    %mul3A_0 = arith.muli %arg1, %mul3A : i32
    %add3A = arith.addi %mul3A_0, %arg0 : i32
    %mul3A_1 = arith.constant 2 : i32
    %mul3A_2 = arith.muli %add3A, %mul3A_1 : i32
    "tpu.region"() ({
      %run_scoped3A = tpu.sem_alloc : memref<!tpu.dma_semaphore, #tpu.memory_space<semaphore_mem>>
      %dma_start3A_49 = arith.constant 0 : i32
      %dma_start3A_50 = tpu.memref_slice %arg3[%mul3A_2, %dma_start3A_49] : memref<64x128xi32, #tpu.memory_space<hbm>> -> memref<2x128xi32, #tpu.memory_space<hbm>>
      %dma_start3A_51 = arith.constant 0 : i32
      %dma_start3A_52 = tpu.memref_slice %arg3[%mul3A_2, %dma_start3A_51] : memref<64x128xi32, #tpu.memory_space<hbm>> -> memref<2x128xi32, #tpu.memory_space<hbm>>
      tpu.enqueue_dma source(%dma_start3A_52 : memref<2x128xi32, #tpu.memory_space<hbm>>) target(%arg5 : memref<2x128xi32, #tpu.memory_space<vmem>>) target_semaphore(%run_scoped3A : memref<!tpu.dma_semaphore, #tpu.memory_space<semaphore_mem>>)
      %dma_wait3A_53 = arith.constant 0 : i32
      %dma_wait3A_54 = tpu.memref_slice %arg3[%mul3A_2, %dma_wait3A_53] : memref<64x128xi32, #tpu.memory_space<hbm>> -> memref<2x128xi32, #tpu.memory_space<hbm>>
      %dma_wait3A_55 = arith.constant 0 : i32
      %dma_wait3A_56 = tpu.memref_slice %arg3[%mul3A_2, %dma_wait3A_55] : memref<64x128xi32, #tpu.memory_space<hbm>> -> memref<2x128xi32, #tpu.memory_space<hbm>>
      tpu.wait_dma2 semaphore(%run_scoped3A : memref<!tpu.dma_semaphore, #tpu.memory_space<semaphore_mem>>) src(%dma_wait3A_56 : memref<2x128xi32, #tpu.memory_space<hbm>>) dst(%arg5 : memref<2x128xi32, #tpu.memory_space<vmem>>)
      tpu.yield
    }) : () -> ()
    %dma_start3A = arith.constant 0 : i32
    %dma_start3A_3 = arith.constant 0 : i32
    %dma_start3A_4 = arith.constant 0 : i32
    %dma_start3A_5 = arith.constant 0 : i32
    %dma_start3A_6 = tpu.memref_slice %arg6[%dma_start3A_3, %dma_start3A_4, %dma_start3A_5] : memref<2x128x256xf32, #tpu.memory_space<vmem>> -> memref<1x128x256xf32, #tpu.memory_space<vmem>>
    %dma_start3A_7 = tpu.memref_squeeze %dma_start3A_6 : memref<1x128x256xf32, #tpu.memory_space<vmem>> -> memref<128x256xf32, #tpu.memory_space<vmem>>
    %dma_start3A_8 = arith.constant 0 : i32
    %dma_start3A_9 = tpu.memref_slice %arg5[%dma_start3A, %dma_start3A_8] : memref<2x128xi32, #tpu.memory_space<vmem>> -> memref<1x128xi32, #tpu.memory_space<vmem>>
    %dma_start3A_10 = tpu.memref_squeeze %dma_start3A_9 : memref<1x128xi32, #tpu.memory_space<vmem>> -> memref<128xi32, #tpu.memory_space<vmem>>
    %dma_start3A_11 = arith.constant 0 : i32
    %dma_start3A_12 = arith.constant 0 : i32
    %dma_start3A_13 = tpu.memref_slice %arg2[%dma_start3A_11, %dma_start3A_12] : memref<8192x256xf32, #tpu.memory_space<hbm>> -> memref<8192x256xf32, #tpu.memory_space<hbm>>
    tpu.enqueue_indirect_dma source(%dma_start3A_13 : memref<8192x256xf32, #tpu.memory_space<hbm>>) target(%dma_start3A_7 : memref<128x256xf32, #tpu.memory_space<vmem>>) offsets(%dma_start3A_10 : memref<128xi32, #tpu.memory_space<vmem>>) semaphore(%arg7 : memref<!tpu.dma_semaphore, #tpu.memory_space<semaphore_mem>>)
    %dma_wait3A = arith.constant 0 : i32
    %dma_wait3A_14 = arith.constant 0 : i32
    %dma_wait3A_15 = arith.constant 0 : i32
    %dma_wait3A_16 = arith.constant 0 : i32
    %dma_wait3A_17 = tpu.memref_slice %arg6[%dma_wait3A_14, %dma_wait3A_15, %dma_wait3A_16] : memref<2x128x256xf32, #tpu.memory_space<vmem>> -> memref<1x128x256xf32, #tpu.memory_space<vmem>>
    %dma_wait3A_18 = tpu.memref_squeeze %dma_wait3A_17 : memref<1x128x256xf32, #tpu.memory_space<vmem>> -> memref<128x256xf32, #tpu.memory_space<vmem>>
    %dma_wait3A_19 = arith.constant 0 : i32
    %dma_wait3A_20 = tpu.memref_slice %arg5[%dma_wait3A, %dma_wait3A_19] : memref<2x128xi32, #tpu.memory_space<vmem>> -> memref<1x128xi32, #tpu.memory_space<vmem>>
    %dma_wait3A_21 = tpu.memref_squeeze %dma_wait3A_20 : memref<1x128xi32, #tpu.memory_space<vmem>> -> memref<128xi32, #tpu.memory_space<vmem>>
    %dma_wait3A_22 = arith.constant 0 : i32
    %dma_wait3A_23 = arith.constant 0 : i32
    %dma_wait3A_24 = tpu.memref_slice %arg2[%dma_wait3A_22, %dma_wait3A_23] : memref<8192x256xf32, #tpu.memory_space<hbm>> -> memref<8192x256xf32, #tpu.memory_space<hbm>>
    tpu.wait_indirect_dma semaphore(%arg7 : memref<!tpu.dma_semaphore, #tpu.memory_space<semaphore_mem>>) src(%dma_wait3A_24 : memref<8192x256xf32, #tpu.memory_space<hbm>>) dst(%dma_wait3A_18 : memref<128x256xf32, #tpu.memory_space<vmem>>)
    %dma_start3A_25 = arith.constant 1 : i32
    %dma_start3A_26 = arith.constant 1 : i32
    %dma_start3A_27 = arith.constant 0 : i32
    %dma_start3A_28 = arith.constant 0 : i32
    %dma_start3A_29 = tpu.memref_slice %arg6[%dma_start3A_26, %dma_start3A_27, %dma_start3A_28] : memref<2x128x256xf32, #tpu.memory_space<vmem>> -> memref<1x128x256xf32, #tpu.memory_space<vmem>>
    %dma_start3A_30 = tpu.memref_squeeze %dma_start3A_29 : memref<1x128x256xf32, #tpu.memory_space<vmem>> -> memref<128x256xf32, #tpu.memory_space<vmem>>
    %dma_start3A_31 = arith.constant 0 : i32
    %dma_start3A_32 = tpu.memref_slice %arg5[%dma_start3A_25, %dma_start3A_31] : memref<2x128xi32, #tpu.memory_space<vmem>> -> memref<1x128xi32, #tpu.memory_space<vmem>>
    %dma_start3A_33 = tpu.memref_squeeze %dma_start3A_32 : memref<1x128xi32, #tpu.memory_space<vmem>> -> memref<128xi32, #tpu.memory_space<vmem>>
    %dma_start3A_34 = arith.constant 0 : i32
    %dma_start3A_35 = arith.constant 0 : i32
    %dma_start3A_36 = tpu.memref_slice %arg2[%dma_start3A_34, %dma_start3A_35] : memref<8192x256xf32, #tpu.memory_space<hbm>> -> memref<8192x256xf32, #tpu.memory_space<hbm>>
    tpu.enqueue_indirect_dma source(%dma_start3A_36 : memref<8192x256xf32, #tpu.memory_space<hbm>>) target(%dma_start3A_30 : memref<128x256xf32, #tpu.memory_space<vmem>>) offsets(%dma_start3A_33 : memref<128xi32, #tpu.memory_space<vmem>>) semaphore(%arg7 : memref<!tpu.dma_semaphore, #tpu.memory_space<semaphore_mem>>)
    %dma_wait3A_37 = arith.constant 1 : i32
    %dma_wait3A_38 = arith.constant 1 : i32
    %dma_wait3A_39 = arith.constant 0 : i32
    %dma_wait3A_40 = arith.constant 0 : i32
    %dma_wait3A_41 = tpu.memref_slice %arg6[%dma_wait3A_38, %dma_wait3A_39, %dma_wait3A_40] : memref<2x128x256xf32, #tpu.memory_space<vmem>> -> memref<1x128x256xf32, #tpu.memory_space<vmem>>
    %dma_wait3A_42 = tpu.memref_squeeze %dma_wait3A_41 : memref<1x128x256xf32, #tpu.memory_space<vmem>> -> memref<128x256xf32, #tpu.memory_space<vmem>>
    %dma_wait3A_43 = arith.constant 0 : i32
    %dma_wait3A_44 = tpu.memref_slice %arg5[%dma_wait3A_37, %dma_wait3A_43] : memref<2x128xi32, #tpu.memory_space<vmem>> -> memref<1x128xi32, #tpu.memory_space<vmem>>
    %dma_wait3A_45 = tpu.memref_squeeze %dma_wait3A_44 : memref<1x128xi32, #tpu.memory_space<vmem>> -> memref<128xi32, #tpu.memory_space<vmem>>
    %dma_wait3A_46 = arith.constant 0 : i32
    %dma_wait3A_47 = arith.constant 0 : i32
    %dma_wait3A_48 = tpu.memref_slice %arg2[%dma_wait3A_46, %dma_wait3A_47] : memref<8192x256xf32, #tpu.memory_space<hbm>> -> memref<8192x256xf32, #tpu.memory_space<hbm>>
    tpu.wait_indirect_dma semaphore(%arg7 : memref<!tpu.dma_semaphore, #tpu.memory_space<semaphore_mem>>) src(%dma_wait3A_48 : memref<8192x256xf32, #tpu.memory_space<hbm>>) dst(%dma_wait3A_42 : memref<128x256xf32, #tpu.memory_space<vmem>>)
    "tpu.region"() ({
      %run_scoped3A = tpu.sem_alloc : memref<!tpu.dma_semaphore, #tpu.memory_space<semaphore_mem>>
      %dma_start3A_49 = arith.constant 0 : i32
      %dma_start3A_50 = arith.constant 0 : i32
      %dma_start3A_51 = tpu.memref_slice %arg4[%mul3A_2, %dma_start3A_49, %dma_start3A_50] : memref<64x128x256xf32, #tpu.memory_space<hbm>> -> memref<2x128x256xf32, #tpu.memory_space<hbm>>
      %dma_start3A_52 = arith.constant 0 : i32
      %dma_start3A_53 = arith.constant 0 : i32
      %dma_start3A_54 = tpu.memref_slice %arg4[%mul3A_2, %dma_start3A_52, %dma_start3A_53] : memref<64x128x256xf32, #tpu.memory_space<hbm>> -> memref<2x128x256xf32, #tpu.memory_space<hbm>>
      tpu.enqueue_dma source(%arg6 : memref<2x128x256xf32, #tpu.memory_space<vmem>>) target(%dma_start3A_54 : memref<2x128x256xf32, #tpu.memory_space<hbm>>) target_semaphore(%run_scoped3A : memref<!tpu.dma_semaphore, #tpu.memory_space<semaphore_mem>>)
      %dma_wait3A_55 = arith.constant 0 : i32
      %dma_wait3A_56 = arith.constant 0 : i32
      %dma_wait3A_57 = tpu.memref_slice %arg4[%mul3A_2, %dma_wait3A_55, %dma_wait3A_56] : memref<64x128x256xf32, #tpu.memory_space<hbm>> -> memref<2x128x256xf32, #tpu.memory_space<hbm>>
      %dma_wait3A_58 = arith.constant 0 : i32
      %dma_wait3A_59 = arith.constant 0 : i32
      %dma_wait3A_60 = tpu.memref_slice %arg4[%mul3A_2, %dma_wait3A_58, %dma_wait3A_59] : memref<64x128x256xf32, #tpu.memory_space<hbm>> -> memref<2x128x256xf32, #tpu.memory_space<hbm>>
      tpu.wait_dma2 semaphore(%run_scoped3A : memref<!tpu.dma_semaphore, #tpu.memory_space<semaphore_mem>>) src(%arg6 : memref<2x128x256xf32, #tpu.memory_space<vmem>>) dst(%dma_wait3A_60 : memref<2x128x256xf32, #tpu.memory_space<hbm>>)
      tpu.yield
    }) : () -> ()
    return
  }
}

module attributes {stable_mosaic.version = 14 : i64} {
  func.func @_dist_body(%arg0: i32, %arg1: memref<1x256x1024xf32, #tpu.memory_space<vmem>>, %arg2: memref<8192x256xf32, #tpu.memory_space<vmem>>, %arg3: memref<8x128xi32, #tpu.memory_space<vmem>>, %arg4: memref<1x1xf32, #tpu.memory_space<smem>>, %arg5: memref<1x8192xf32, #tpu.memory_space<vmem>>, %arg6: memref<8192x256xf32, #tpu.memory_space<vmem>>, %arg7: memref<1x8192xf32, #tpu.memory_space<vmem>>) attributes {dimension_semantics = [#tpu.dimension_semantics<arbitrary>], iteration_bounds = array<i64: 8>, scalar_prefetch = 0 : i64, scratch_operands = 3 : i64, tpu.core_type = #tpu.core_type<tc>, window_params = [{transform_indices = @transform_0, window_bounds = array<i64: 1, 256, 1024>}, {pipeline_mode = #tpu.pipeline_mode<synchronous>, transform_indices = @transform_1, window_bounds = array<i64: 8192, 256>}, {transform_indices = @transform_2, window_bounds = array<i64: 8, 128>}, {transform_indices = @transform_3, window_bounds = array<i64: 1, 1>}]} {
    %eq3A = arith.constant 0 : i32
    %eq3A_0 = arith.cmpi eq, %arg0, %eq3A : i32
    %convert_element_type3A = arith.extui %eq3A_0 : i1 to i32
    %cond3A = arith.constant 0 : i32
    %cond3A_1 = arith.cmpi ne, %convert_element_type3A, %cond3A : i32
    scf.if %cond3A_1 {
      %get3A_155 = arith.constant 0 : index
      %get3A_156 = arith.constant 0 : index
      %get3A_157 = vector.load %arg2[%get3A_155, %get3A_156] : memref<8192x256xf32, #tpu.memory_space<vmem>>, vector<2048x256xf32>
      %mul3A_158 = arith.mulf %get3A_157, %get3A_157 : vector<2048x256xf32>
      %reduce_sum3A_159 = arith.constant dense<0.000000e+00> : vector<2048xf32>
      %reduce_sum3A_160 = vector.multi_reduction <add>, %mul3A_158, %reduce_sum3A_159 [1] : vector<2048x256xf32> to vector<2048xf32>
      %swap3A_161 = arith.constant 0 : index
      %swap3A_162 = arith.constant 0 : index
      %swap3A_163 = vector.load %arg5[%swap3A_161, %swap3A_162] : memref<1x8192xf32, #tpu.memory_space<vmem>>, vector<1x2048xf32>
      %swap3A_164 = vector.shape_cast %swap3A_163 : vector<1x2048xf32> to vector<2048xf32>
      %swap3A_165 = vector.shape_cast %reduce_sum3A_160 : vector<2048xf32> to vector<1x2048xf32>
      tpu.vector_store %arg5[%swap3A_161, %swap3A_162], %swap3A_165 {strides = array<i32>} : memref<1x8192xf32, #tpu.memory_space<vmem>>, vector<1x2048xf32>,
      %mul3A_166 = arith.constant -2.000000e+00 : f32
      %mul3A_167 = vector.broadcast %mul3A_166 : f32 to vector<2048x256xf32>
      %mul3A_168 = arith.mulf %mul3A_167, %get3A_157 : vector<2048x256xf32>
      %swap3A_169 = arith.constant 0 : index
      %swap3A_170 = arith.constant 0 : index
      %swap3A_171 = vector.load %arg6[%swap3A_169, %swap3A_170] : memref<8192x256xf32, #tpu.memory_space<vmem>>, vector<2048x256xf32>
      tpu.vector_store %arg6[%swap3A_169, %swap3A_170], %mul3A_168 {strides = array<i32>} : memref<8192x256xf32, #tpu.memory_space<vmem>>, vector<2048x256xf32>,
      %iota3A = tpu.iota {dimensions = array<i32: 1>} : vector<1x2048xi32>
      %convert_element_type3A_172 = arith.sitofp %iota3A : vector<1x2048xi32> to vector<1x2048xf32>
      %add3A_173 = arith.constant 0.000000e+00 : f32
      %add3A_174 = vector.broadcast %add3A_173 : f32 to vector<1x2048xf32>
      %add3A_175 = arith.addf %add3A_174, %convert_element_type3A_172 : vector<1x2048xf32>
      %squeeze3A_176 = vector.shape_cast %add3A_175 : vector<1x2048xf32> to vector<2048xf32>
      %swap3A_177 = arith.constant 0 : index
      %swap3A_178 = arith.constant 0 : index
      %swap3A_179 = vector.load %arg7[%swap3A_177, %swap3A_178] : memref<1x8192xf32, #tpu.memory_space<vmem>>, vector<1x2048xf32>
      %swap3A_180 = vector.shape_cast %swap3A_179 : vector<1x2048xf32> to vector<2048xf32>
      %swap3A_181 = vector.shape_cast %squeeze3A_176 : vector<2048xf32> to vector<1x2048xf32>
      tpu.vector_store %arg7[%swap3A_177, %swap3A_178], %swap3A_181 {strides = array<i32>} : memref<1x8192xf32, #tpu.memory_space<vmem>>, vector<1x2048xf32>,
      %get3A_182 = arith.constant 2048 : index
      %get3A_183 = arith.constant 0 : index
      %get3A_184 = vector.load %arg2[%get3A_182, %get3A_183] : memref<8192x256xf32, #tpu.memory_space<vmem>>, vector<2048x256xf32>
      %mul3A_185 = arith.mulf %get3A_184, %get3A_184 : vector<2048x256xf32>
      %reduce_sum3A_186 = arith.constant dense<0.000000e+00> : vector<2048xf32>
      %reduce_sum3A_187 = vector.multi_reduction <add>, %mul3A_185, %reduce_sum3A_186 [1] : vector<2048x256xf32> to vector<2048xf32>
      %swap3A_188 = arith.constant 0 : index
      %swap3A_189 = arith.constant 2048 : index
      %swap3A_190 = vector.load %arg5[%swap3A_188, %swap3A_189] : memref<1x8192xf32, #tpu.memory_space<vmem>>, vector<1x2048xf32>
      %swap3A_191 = vector.shape_cast %swap3A_190 : vector<1x2048xf32> to vector<2048xf32>
      %swap3A_192 = vector.shape_cast %reduce_sum3A_187 : vector<2048xf32> to vector<1x2048xf32>
      tpu.vector_store %arg5[%swap3A_188, %swap3A_189], %swap3A_192 {strides = array<i32>} : memref<1x8192xf32, #tpu.memory_space<vmem>>, vector<1x2048xf32>,
      %mul3A_193 = arith.constant -2.000000e+00 : f32
      %mul3A_194 = vector.broadcast %mul3A_193 : f32 to vector<2048x256xf32>
      %mul3A_195 = arith.mulf %mul3A_194, %get3A_184 : vector<2048x256xf32>
      %swap3A_196 = arith.constant 2048 : index
      %swap3A_197 = arith.constant 0 : index
      %swap3A_198 = vector.load %arg6[%swap3A_196, %swap3A_197] : memref<8192x256xf32, #tpu.memory_space<vmem>>, vector<2048x256xf32>
      tpu.vector_store %arg6[%swap3A_196, %swap3A_197], %mul3A_195 {strides = array<i32>} : memref<8192x256xf32, #tpu.memory_space<vmem>>, vector<2048x256xf32>,
      %iota3A_199 = tpu.iota {dimensions = array<i32: 1>} : vector<1x2048xi32>
      %convert_element_type3A_200 = arith.sitofp %iota3A_199 : vector<1x2048xi32> to vector<1x2048xf32>
      %add3A_201 = arith.constant 2.048000e+03 : f32
      %add3A_202 = vector.broadcast %add3A_201 : f32 to vector<1x2048xf32>
      %add3A_203 = arith.addf %add3A_202, %convert_element_type3A_200 : vector<1x2048xf32>
      %squeeze3A_204 = vector.shape_cast %add3A_203 : vector<1x2048xf32> to vector<2048xf32>
      %swap3A_205 = arith.constant 0 : index
      %swap3A_206 = arith.constant 2048 : index
      %swap3A_207 = vector.load %arg7[%swap3A_205, %swap3A_206] : memref<1x8192xf32, #tpu.memory_space<vmem>>, vector<1x2048xf32>
      %swap3A_208 = vector.shape_cast %swap3A_207 : vector<1x2048xf32> to vector<2048xf32>
      %swap3A_209 = vector.shape_cast %squeeze3A_204 : vector<2048xf32> to vector<1x2048xf32>
      tpu.vector_store %arg7[%swap3A_205, %swap3A_206], %swap3A_209 {strides = array<i32>} : memref<1x8192xf32, #tpu.memory_space<vmem>>, vector<1x2048xf32>,
      %get3A_210 = arith.constant 4096 : index
      %get3A_211 = arith.constant 0 : index
      %get3A_212 = vector.load %arg2[%get3A_210, %get3A_211] : memref<8192x256xf32, #tpu.memory_space<vmem>>, vector<2048x256xf32>
      %mul3A_213 = arith.mulf %get3A_212, %get3A_212 : vector<2048x256xf32>
      %reduce_sum3A_214 = arith.constant dense<0.000000e+00> : vector<2048xf32>
      %reduce_sum3A_215 = vector.multi_reduction <add>, %mul3A_213, %reduce_sum3A_214 [1] : vector<2048x256xf32> to vector<2048xf32>
      %swap3A_216 = arith.constant 0 : index
      %swap3A_217 = arith.constant 4096 : index
      %swap3A_218 = vector.load %arg5[%swap3A_216, %swap3A_217] : memref<1x8192xf32, #tpu.memory_space<vmem>>, vector<1x2048xf32>
      %swap3A_219 = vector.shape_cast %swap3A_218 : vector<1x2048xf32> to vector<2048xf32>
      %swap3A_220 = vector.shape_cast %reduce_sum3A_215 : vector<2048xf32> to vector<1x2048xf32>
      tpu.vector_store %arg5[%swap3A_216, %swap3A_217], %swap3A_220 {strides = array<i32>} : memref<1x8192xf32, #tpu.memory_space<vmem>>, vector<1x2048xf32>,
      %mul3A_221 = arith.constant -2.000000e+00 : f32
      %mul3A_222 = vector.broadcast %mul3A_221 : f32 to vector<2048x256xf32>
      %mul3A_223 = arith.mulf %mul3A_222, %get3A_212 : vector<2048x256xf32>
      %swap3A_224 = arith.constant 4096 : index
      %swap3A_225 = arith.constant 0 : index
      %swap3A_226 = vector.load %arg6[%swap3A_224, %swap3A_225] : memref<8192x256xf32, #tpu.memory_space<vmem>>, vector<2048x256xf32>
      tpu.vector_store %arg6[%swap3A_224, %swap3A_225], %mul3A_223 {strides = array<i32>} : memref<8192x256xf32, #tpu.memory_space<vmem>>, vector<2048x256xf32>,
      %iota3A_227 = tpu.iota {dimensions = array<i32: 1>} : vector<1x2048xi32>
      %convert_element_type3A_228 = arith.sitofp %iota3A_227 : vector<1x2048xi32> to vector<1x2048xf32>
      %add3A_229 = arith.constant 4.096000e+03 : f32
      %add3A_230 = vector.broadcast %add3A_229 : f32 to vector<1x2048xf32>
      %add3A_231 = arith.addf %add3A_230, %convert_element_type3A_228 : vector<1x2048xf32>
      %squeeze3A_232 = vector.shape_cast %add3A_231 : vector<1x2048xf32> to vector<2048xf32>
      %swap3A_233 = arith.constant 0 : index
      %swap3A_234 = arith.constant 4096 : index
      %swap3A_235 = vector.load %arg7[%swap3A_233, %swap3A_234] : memref<1x8192xf32, #tpu.memory_space<vmem>>, vector<1x2048xf32>
      %swap3A_236 = vector.shape_cast %swap3A_235 : vector<1x2048xf32> to vector<2048xf32>
      %swap3A_237 = vector.shape_cast %squeeze3A_232 : vector<2048xf32> to vector<1x2048xf32>
      tpu.vector_store %arg7[%swap3A_233, %swap3A_234], %swap3A_237 {strides = array<i32>} : memref<1x8192xf32, #tpu.memory_space<vmem>>, vector<1x2048xf32>,
      %get3A_238 = arith.constant 6144 : index
      %get3A_239 = arith.constant 0 : index
      %get3A_240 = vector.load %arg2[%get3A_238, %get3A_239] : memref<8192x256xf32, #tpu.memory_space<vmem>>, vector<2048x256xf32>
      %mul3A_241 = arith.mulf %get3A_240, %get3A_240 : vector<2048x256xf32>
      %reduce_sum3A_242 = arith.constant dense<0.000000e+00> : vector<2048xf32>
      %reduce_sum3A_243 = vector.multi_reduction <add>, %mul3A_241, %reduce_sum3A_242 [1] : vector<2048x256xf32> to vector<2048xf32>
      %swap3A_244 = arith.constant 0 : index
      %swap3A_245 = arith.constant 6144 : index
      %swap3A_246 = vector.load %arg5[%swap3A_244, %swap3A_245] : memref<1x8192xf32, #tpu.memory_space<vmem>>, vector<1x2048xf32>
      %swap3A_247 = vector.shape_cast %swap3A_246 : vector<1x2048xf32> to vector<2048xf32>
      %swap3A_248 = vector.shape_cast %reduce_sum3A_243 : vector<2048xf32> to vector<1x2048xf32>
      tpu.vector_store %arg5[%swap3A_244, %swap3A_245], %swap3A_248 {strides = array<i32>} : memref<1x8192xf32, #tpu.memory_space<vmem>>, vector<1x2048xf32>,
      %mul3A_249 = arith.constant -2.000000e+00 : f32
      %mul3A_250 = vector.broadcast %mul3A_249 : f32 to vector<2048x256xf32>
      %mul3A_251 = arith.mulf %mul3A_250, %get3A_240 : vector<2048x256xf32>
      %swap3A_252 = arith.constant 6144 : index
      %swap3A_253 = arith.constant 0 : index
      %swap3A_254 = vector.load %arg6[%swap3A_252, %swap3A_253] : memref<8192x256xf32, #tpu.memory_space<vmem>>, vector<2048x256xf32>
      tpu.vector_store %arg6[%swap3A_252, %swap3A_253], %mul3A_251 {strides = array<i32>} : memref<8192x256xf32, #tpu.memory_space<vmem>>, vector<2048x256xf32>,
      %iota3A_255 = tpu.iota {dimensions = array<i32: 1>} : vector<1x2048xi32>
      %convert_element_type3A_256 = arith.sitofp %iota3A_255 : vector<1x2048xi32> to vector<1x2048xf32>
      %add3A_257 = arith.constant 6.144000e+03 : f32
      %add3A_258 = vector.broadcast %add3A_257 : f32 to vector<1x2048xf32>
      %add3A_259 = arith.addf %add3A_258, %convert_element_type3A_256 : vector<1x2048xf32>
      %squeeze3A_260 = vector.shape_cast %add3A_259 : vector<1x2048xf32> to vector<2048xf32>
      %swap3A_261 = arith.constant 0 : index
      %swap3A_262 = arith.constant 6144 : index
      %swap3A_263 = vector.load %arg7[%swap3A_261, %swap3A_262] : memref<1x8192xf32, #tpu.memory_space<vmem>>, vector<1x2048xf32>
      %swap3A_264 = vector.shape_cast %swap3A_263 : vector<1x2048xf32> to vector<2048xf32>
      %swap3A_265 = vector.shape_cast %squeeze3A_260 : vector<2048xf32> to vector<1x2048xf32>
      tpu.vector_store %arg7[%swap3A_261, %swap3A_262], %swap3A_265 {strides = array<i32>} : memref<1x8192xf32, #tpu.memory_space<vmem>>, vector<1x2048xf32>,
    } else {
    }
    %get3A = arith.constant 0 : index
    %get3A_2 = arith.constant 0 : index
    %get3A_3 = arith.constant 0 : index
    %get3A_4 = vector.load %arg1[%get3A, %get3A_2, %get3A_3] : memref<1x256x1024xf32, #tpu.memory_space<vmem>>, vector<1x256x1024xf32>
    %get3A_5 = vector.shape_cast %get3A_4 : vector<1x256x1024xf32> to vector<256x1024xf32>
    %transpose3A = tpu.transpose %get3A_5, [1, 0] : vector<256x1024xf32> -> vector<1024x256xf32>
    %mul3A = arith.mulf %transpose3A, %transpose3A : vector<1024x256xf32>
    %reduce_sum3A = arith.constant dense<0.000000e+00> : vector<1024xf32>
    %reduce_sum3A_6 = vector.multi_reduction <add>, %mul3A, %reduce_sum3A [1] : vector<1024x256xf32> to vector<1024xf32>
    %broadcast_in_dim3A = vector.shape_cast %reduce_sum3A_6 : vector<1024xf32> to vector<1024x1xf32>
    %get3A_7 = arith.constant 0 : index
    %get3A_8 = arith.constant 0 : index
    %get3A_9 = vector.load %arg6[%get3A_7, %get3A_8] : memref<8192x256xf32, #tpu.memory_space<vmem>>, vector<2048x256xf32>
    %get3A_10 = arith.constant 0 : index
    %get3A_11 = arith.constant 0 : index
    %get3A_12 = vector.load %arg5[%get3A_10, %get3A_11] : memref<1x8192xf32, #tpu.memory_space<vmem>>, vector<1x2048xf32>
    %get3A_13 = vector.shape_cast %get3A_12 : vector<1x2048xf32> to vector<2048xf32>
    %dot_general3A = arith.constant dense<0.000000e+00> : vector<1024x2048xf32>
    %dot_general3A_14 = tpu.matmul %transpose3A, %get3A_9, %dot_general3A {dimension_numbers = #tpu.dot_dimension_numbers<[1], [1], [0], [0], [0, 0, 1, 0], [], []>, transpose_lhs_hint = false} : vector<1024x256xf32>, vector<2048x256xf32>, vector<1024x2048xf32> -> vector<1024x2048xf32>
    %add3A = vector.broadcast %broadcast_in_dim3A : vector<1024x1xf32> to vector<1024x2048xf32>
    %add3A_15 = arith.addf %add3A, %dot_general3A_14 : vector<1024x2048xf32>
    %broadcast_in_dim3A_16 = vector.shape_cast %get3A_13 : vector<2048xf32> to vector<1x2048xf32>
    %add3A_17 = vector.broadcast %broadcast_in_dim3A_16 : vector<1x2048xf32> to vector<1024x2048xf32>
    %add3A_18 = arith.addf %add3A_15, %add3A_17 : vector<1024x2048xf32>
    %reduce_min3A = arith.constant dense<0x7F800000> : vector<1024xf32>
    %reduce_min3A_19 = vector.multi_reduction <minimumf>, %add3A_18, %reduce_min3A [1] : vector<1024x2048xf32> to vector<1024xf32>
    %broadcast_in_dim3A_20 = vector.shape_cast %reduce_min3A_19 : vector<1024xf32> to vector<1024x1xf32>
    %get3A_21 = arith.constant 0 : index
    %get3A_22 = arith.constant 0 : index
    %get3A_23 = vector.load %arg7[%get3A_21, %get3A_22] : memref<1x8192xf32, #tpu.memory_space<vmem>>, vector<1x2048xf32>
    %get3A_24 = vector.shape_cast %get3A_23 : vector<1x2048xf32> to vector<2048xf32>
    %eq3A_25 = vector.broadcast %broadcast_in_dim3A_20 : vector<1024x1xf32> to vector<1024x2048xf32>
    %eq3A_26 = arith.cmpf oeq, %add3A_18, %eq3A_25 : vector<1024x2048xf32>
    %broadcast_in_dim3A_27 = vector.shape_cast %get3A_24 : vector<2048xf32> to vector<1x2048xf32>
    %jit3A = arith.constant 8.192000e+03 : f32
    %broadcast_in_dim3A_28 = vector.shape_cast %broadcast_in_dim3A_27 : vector<1x2048xf32> to vector<1x2048xf32>
    %broadcast_in_dim3A_29 = vector.broadcast %broadcast_in_dim3A_28 : vector<1x2048xf32> to vector<1024x2048xf32>
    %broadcast_in_dim3A_30 = vector.broadcast %jit3A : f32 to vector<1024x2048xf32>
    %select_n3A = arith.select %eq3A_26, %broadcast_in_dim3A_29, %broadcast_in_dim3A_30 : vector<1024x2048xi1>, vector<1024x2048xf32>
    %reduce_min3A_31 = arith.constant dense<0x7F800000> : vector<1024xf32>
    %reduce_min3A_32 = vector.multi_reduction <minimumf>, %select_n3A, %reduce_min3A_31 [1] : vector<1024x2048xf32> to vector<1024xf32>
    %broadcast_in_dim3A_33 = vector.shape_cast %reduce_min3A_32 : vector<1024xf32> to vector<1024x1xf32>
    %get3A_34 = arith.constant 2048 : index
    %get3A_35 = arith.constant 0 : index
    %get3A_36 = vector.load %arg6[%get3A_34, %get3A_35] : memref<8192x256xf32, #tpu.memory_space<vmem>>, vector<2048x256xf32>
    %get3A_37 = arith.constant 0 : index
    %get3A_38 = arith.constant 2048 : index
    %get3A_39 = vector.load %arg5[%get3A_37, %get3A_38] : memref<1x8192xf32, #tpu.memory_space<vmem>>, vector<1x2048xf32>
    %get3A_40 = vector.shape_cast %get3A_39 : vector<1x2048xf32> to vector<2048xf32>
    %dot_general3A_41 = arith.constant dense<0.000000e+00> : vector<1024x2048xf32>
    %dot_general3A_42 = tpu.matmul %transpose3A, %get3A_36, %dot_general3A_41 {dimension_numbers = #tpu.dot_dimension_numbers<[1], [1], [0], [0], [0, 0, 1, 0], [], []>, transpose_lhs_hint = false} : vector<1024x256xf32>, vector<2048x256xf32>, vector<1024x2048xf32> -> vector<1024x2048xf32>
    %add3A_43 = vector.broadcast %broadcast_in_dim3A : vector<1024x1xf32> to vector<1024x2048xf32>
    %add3A_44 = arith.addf %add3A_43, %dot_general3A_42 : vector<1024x2048xf32>
    %broadcast_in_dim3A_45 = vector.shape_cast %get3A_40 : vector<2048xf32> to vector<1x2048xf32>
    %add3A_46 = vector.broadcast %broadcast_in_dim3A_45 : vector<1x2048xf32> to vector<1024x2048xf32>
    %add3A_47 = arith.addf %add3A_44, %add3A_46 : vector<1024x2048xf32>
    %reduce_min3A_48 = arith.constant dense<0x7F800000> : vector<1024xf32>
    %reduce_min3A_49 = vector.multi_reduction <minimumf>, %add3A_47, %reduce_min3A_48 [1] : vector<1024x2048xf32> to vector<1024xf32>
    %broadcast_in_dim3A_50 = vector.shape_cast %reduce_min3A_49 : vector<1024xf32> to vector<1024x1xf32>
    %get3A_51 = arith.constant 0 : index
    %get3A_52 = arith.constant 2048 : index
    %get3A_53 = vector.load %arg7[%get3A_51, %get3A_52] : memref<1x8192xf32, #tpu.memory_space<vmem>>, vector<1x2048xf32>
    %get3A_54 = vector.shape_cast %get3A_53 : vector<1x2048xf32> to vector<2048xf32>
    %eq3A_55 = vector.broadcast %broadcast_in_dim3A_50 : vector<1024x1xf32> to vector<1024x2048xf32>
    %eq3A_56 = arith.cmpf oeq, %add3A_47, %eq3A_55 : vector<1024x2048xf32>
    %broadcast_in_dim3A_57 = vector.shape_cast %get3A_54 : vector<2048xf32> to vector<1x2048xf32>
    %jit3A_58 = arith.constant 8.192000e+03 : f32
    %broadcast_in_dim3A_59 = vector.shape_cast %broadcast_in_dim3A_57 : vector<1x2048xf32> to vector<1x2048xf32>
    %broadcast_in_dim3A_60 = vector.broadcast %broadcast_in_dim3A_59 : vector<1x2048xf32> to vector<1024x2048xf32>
    %broadcast_in_dim3A_61 = vector.broadcast %jit3A_58 : f32 to vector<1024x2048xf32>
    %select_n3A_62 = arith.select %eq3A_56, %broadcast_in_dim3A_60, %broadcast_in_dim3A_61 : vector<1024x2048xi1>, vector<1024x2048xf32>
    %reduce_min3A_63 = arith.constant dense<0x7F800000> : vector<1024xf32>
    %reduce_min3A_64 = vector.multi_reduction <minimumf>, %select_n3A_62, %reduce_min3A_63 [1] : vector<1024x2048xf32> to vector<1024xf32>
    %broadcast_in_dim3A_65 = vector.shape_cast %reduce_min3A_64 : vector<1024xf32> to vector<1024x1xf32>
    %lt3A = arith.cmpf olt, %broadcast_in_dim3A_50, %broadcast_in_dim3A_20 : vector<1024x1xf32>
    %select_n3A_66 = arith.select %lt3A, %broadcast_in_dim3A_65, %broadcast_in_dim3A_33 : vector<1024x1xi1>, vector<1024x1xf32>
    %select_n3A_67 = arith.select %lt3A, %broadcast_in_dim3A_50, %broadcast_in_dim3A_20 : vector<1024x1xi1>, vector<1024x1xf32>
    %get3A_68 = arith.constant 4096 : index
    %get3A_69 = arith.constant 0 : index
    %get3A_70 = vector.load %arg6[%get3A_68, %get3A_69] : memref<8192x256xf32, #tpu.memory_space<vmem>>, vector<2048x256xf32>
    %get3A_71 = arith.constant 0 : index
    %get3A_72 = arith.constant 4096 : index
    %get3A_73 = vector.load %arg5[%get3A_71, %get3A_72] : memref<1x8192xf32, #tpu.memory_space<vmem>>, vector<1x2048xf32>
    %get3A_74 = vector.shape_cast %get3A_73 : vector<1x2048xf32> to vector<2048xf32>
    %dot_general3A_75 = arith.constant dense<0.000000e+00> : vector<1024x2048xf32>
    %dot_general3A_76 = tpu.matmul %transpose3A, %get3A_70, %dot_general3A_75 {dimension_numbers = #tpu.dot_dimension_numbers<[1], [1], [0], [0], [0, 0, 1, 0], [], []>, transpose_lhs_hint = false} : vector<1024x256xf32>, vector<2048x256xf32>, vector<1024x2048xf32> -> vector<1024x2048xf32>
    %add3A_77 = vector.broadcast %broadcast_in_dim3A : vector<1024x1xf32> to vector<1024x2048xf32>
    %add3A_78 = arith.addf %add3A_77, %dot_general3A_76 : vector<1024x2048xf32>
    %broadcast_in_dim3A_79 = vector.shape_cast %get3A_74 : vector<2048xf32> to vector<1x2048xf32>
    %add3A_80 = vector.broadcast %broadcast_in_dim3A_79 : vector<1x2048xf32> to vector<1024x2048xf32>
    %add3A_81 = arith.addf %add3A_78, %add3A_80 : vector<1024x2048xf32>
    %reduce_min3A_82 = arith.constant dense<0x7F800000> : vector<1024xf32>
    %reduce_min3A_83 = vector.multi_reduction <minimumf>, %add3A_81, %reduce_min3A_82 [1] : vector<1024x2048xf32> to vector<1024xf32>
    %broadcast_in_dim3A_84 = vector.shape_cast %reduce_min3A_83 : vector<1024xf32> to vector<1024x1xf32>
    %get3A_85 = arith.constant 0 : index
    %get3A_86 = arith.constant 4096 : index
    %get3A_87 = vector.load %arg7[%get3A_85, %get3A_86] : memref<1x8192xf32, #tpu.memory_space<vmem>>, vector<1x2048xf32>
    %get3A_88 = vector.shape_cast %get3A_87 : vector<1x2048xf32> to vector<2048xf32>
    %eq3A_89 = vector.broadcast %broadcast_in_dim3A_84 : vector<1024x1xf32> to vector<1024x2048xf32>
    %eq3A_90 = arith.cmpf oeq, %add3A_81, %eq3A_89 : vector<1024x2048xf32>
    %broadcast_in_dim3A_91 = vector.shape_cast %get3A_88 : vector<2048xf32> to vector<1x2048xf32>
    %jit3A_92 = arith.constant 8.192000e+03 : f32
    %broadcast_in_dim3A_93 = vector.shape_cast %broadcast_in_dim3A_91 : vector<1x2048xf32> to vector<1x2048xf32>
    %broadcast_in_dim3A_94 = vector.broadcast %broadcast_in_dim3A_93 : vector<1x2048xf32> to vector<1024x2048xf32>
    %broadcast_in_dim3A_95 = vector.broadcast %jit3A_92 : f32 to vector<1024x2048xf32>
    %select_n3A_96 = arith.select %eq3A_90, %broadcast_in_dim3A_94, %broadcast_in_dim3A_95 : vector<1024x2048xi1>, vector<1024x2048xf32>
    %reduce_min3A_97 = arith.constant dense<0x7F800000> : vector<1024xf32>
    %reduce_min3A_98 = vector.multi_reduction <minimumf>, %select_n3A_96, %reduce_min3A_97 [1] : vector<1024x2048xf32> to vector<1024xf32>
    %broadcast_in_dim3A_99 = vector.shape_cast %reduce_min3A_98 : vector<1024xf32> to vector<1024x1xf32>
    %lt3A_100 = arith.cmpf olt, %broadcast_in_dim3A_84, %select_n3A_67 : vector<1024x1xf32>
    %select_n3A_101 = arith.select %lt3A_100, %broadcast_in_dim3A_99, %select_n3A_66 : vector<1024x1xi1>, vector<1024x1xf32>
    %select_n3A_102 = arith.select %lt3A_100, %broadcast_in_dim3A_84, %select_n3A_67 : vector<1024x1xi1>, vector<1024x1xf32>
    %get3A_103 = arith.constant 6144 : index
    %get3A_104 = arith.constant 0 : index
    %get3A_105 = vector.load %arg6[%get3A_103, %get3A_104] : memref<8192x256xf32, #tpu.memory_space<vmem>>, vector<2048x256xf32>
    %get3A_106 = arith.constant 0 : index
    %get3A_107 = arith.constant 6144 : index
    %get3A_108 = vector.load %arg5[%get3A_106, %get3A_107] : memref<1x8192xf32, #tpu.memory_space<vmem>>, vector<1x2048xf32>
    %get3A_109 = vector.shape_cast %get3A_108 : vector<1x2048xf32> to vector<2048xf32>
    %dot_general3A_110 = arith.constant dense<0.000000e+00> : vector<1024x2048xf32>
    %dot_general3A_111 = tpu.matmul %transpose3A, %get3A_105, %dot_general3A_110 {dimension_numbers = #tpu.dot_dimension_numbers<[1], [1], [0], [0], [0, 0, 1, 0], [], []>, transpose_lhs_hint = false} : vector<1024x256xf32>, vector<2048x256xf32>, vector<1024x2048xf32> -> vector<1024x2048xf32>
    %add3A_112 = vector.broadcast %broadcast_in_dim3A : vector<1024x1xf32> to vector<1024x2048xf32>
    %add3A_113 = arith.addf %add3A_112, %dot_general3A_111 : vector<1024x2048xf32>
    %broadcast_in_dim3A_114 = vector.shape_cast %get3A_109 : vector<2048xf32> to vector<1x2048xf32>
    %add3A_115 = vector.broadcast %broadcast_in_dim3A_114 : vector<1x2048xf32> to vector<1024x2048xf32>
    %add3A_116 = arith.addf %add3A_113, %add3A_115 : vector<1024x2048xf32>
    %reduce_min3A_117 = arith.constant dense<0x7F800000> : vector<1024xf32>
    %reduce_min3A_118 = vector.multi_reduction <minimumf>, %add3A_116, %reduce_min3A_117 [1] : vector<1024x2048xf32> to vector<1024xf32>
    %broadcast_in_dim3A_119 = vector.shape_cast %reduce_min3A_118 : vector<1024xf32> to vector<1024x1xf32>
    %get3A_120 = arith.constant 0 : index
    %get3A_121 = arith.constant 6144 : index
    %get3A_122 = vector.load %arg7[%get3A_120, %get3A_121] : memref<1x8192xf32, #tpu.memory_space<vmem>>, vector<1x2048xf32>
    %get3A_123 = vector.shape_cast %get3A_122 : vector<1x2048xf32> to vector<2048xf32>
    %eq3A_124 = vector.broadcast %broadcast_in_dim3A_119 : vector<1024x1xf32> to vector<1024x2048xf32>
    %eq3A_125 = arith.cmpf oeq, %add3A_116, %eq3A_124 : vector<1024x2048xf32>
    %broadcast_in_dim3A_126 = vector.shape_cast %get3A_123 : vector<2048xf32> to vector<1x2048xf32>
    %jit3A_127 = arith.constant 8.192000e+03 : f32
    %broadcast_in_dim3A_128 = vector.shape_cast %broadcast_in_dim3A_126 : vector<1x2048xf32> to vector<1x2048xf32>
    %broadcast_in_dim3A_129 = vector.broadcast %broadcast_in_dim3A_128 : vector<1x2048xf32> to vector<1024x2048xf32>
    %broadcast_in_dim3A_130 = vector.broadcast %jit3A_127 : f32 to vector<1024x2048xf32>
    %select_n3A_131 = arith.select %eq3A_125, %broadcast_in_dim3A_129, %broadcast_in_dim3A_130 : vector<1024x2048xi1>, vector<1024x2048xf32>
    %reduce_min3A_132 = arith.constant dense<0x7F800000> : vector<1024xf32>
    %reduce_min3A_133 = vector.multi_reduction <minimumf>, %select_n3A_131, %reduce_min3A_132 [1] : vector<1024x2048xf32> to vector<1024xf32>
    %broadcast_in_dim3A_134 = vector.shape_cast %reduce_min3A_133 : vector<1024xf32> to vector<1024x1xf32>
    %lt3A_135 = arith.cmpf olt, %broadcast_in_dim3A_119, %select_n3A_102 : vector<1024x1xf32>
    %select_n3A_136 = arith.select %lt3A_135, %broadcast_in_dim3A_134, %select_n3A_101 : vector<1024x1xi1>, vector<1024x1xf32>
    %select_n3A_137 = arith.select %lt3A_135, %broadcast_in_dim3A_119, %select_n3A_102 : vector<1024x1xi1>, vector<1024x1xf32>
    %squeeze3A = vector.shape_cast %select_n3A_136 : vector<1024x1xf32> to vector<1024xf32>
    %reshape3A = vector.shape_cast %squeeze3A : vector<1024xf32> to vector<8x128xf32>
    %convert_element_type3A_138 = arith.fptosi %reshape3A : vector<8x128xf32> to vector<8x128xi32>
    %swap3A = arith.constant 0 : index
    %swap3A_139 = arith.constant 0 : index
    %swap3A_140 = vector.load %arg3[%swap3A, %swap3A_139] : memref<8x128xi32, #tpu.memory_space<vmem>>, vector<8x128xi32>
    tpu.vector_store %arg3[%swap3A, %swap3A_139], %convert_element_type3A_138 {strides = array<i32>} : memref<8x128xi32, #tpu.memory_space<vmem>>, vector<8x128xi32>,
    %reduce_sum3A_141 = vector.shape_cast %select_n3A_137 : vector<1024x1xf32> to vector<1x1024x1xf32>
    %reduce_sum3A_142 = arith.constant dense<0.000000e+00> : vector<1xf32>
    %reduce_sum3A_143 = vector.multi_reduction <add>, %reduce_sum3A_141, %reduce_sum3A_142 [1, 2] : vector<1x1024x1xf32> to vector<1xf32>
    %reduce_sum3A_144 = vector.shape_cast %reduce_sum3A_143 : vector<1xf32> to vector<1x1x1xf32>
    %reduce_sum3A_145 = vector.extract %reduce_sum3A_144[0, 0, 0] : f32 from vector<1x1x1xf32>
    %eq3A_146 = arith.constant 0 : i32
    %eq3A_147 = arith.cmpi eq, %arg0, %eq3A_146 : i32
    %convert_element_type3A_148 = arith.extui %eq3A_147 : i1 to i32
    %cond3A_149 = arith.constant 0 : i32
    %cond3A_150 = arith.cmpi ne, %convert_element_type3A_148, %cond3A_149 : i32
    scf.if %cond3A_150 {
      %swap3A_155 = arith.constant 0 : index
      %swap3A_156 = arith.constant 0 : index
      %swap3A_157 = memref.load %arg4[%swap3A_155, %swap3A_156] : memref<1x1xf32, #tpu.memory_space<smem>>
      memref.store %reduce_sum3A_145, %arg4[%swap3A_155, %swap3A_156] : memref<1x1xf32, #tpu.memory_space<smem>>
    } else {
    }
    %gt3A = arith.constant 0 : i32
    %gt3A_151 = arith.cmpi sgt, %arg0, %gt3A : i32
    %convert_element_type3A_152 = arith.extui %gt3A_151 : i1 to i32
    %cond3A_153 = arith.constant 0 : i32
    %cond3A_154 = arith.cmpi ne, %convert_element_type3A_152, %cond3A_153 : i32
    scf.if %cond3A_154 {
      %get3A_155 = arith.constant 0 : index
      %get3A_156 = arith.constant 0 : index
      %get3A_157 = memref.load %arg4[%get3A_155, %get3A_156] : memref<1x1xf32, #tpu.memory_space<smem>>
      %add3A_158 = arith.addf %get3A_157, %reduce_sum3A_145 : f32
      %swap3A_159 = arith.constant 0 : index
      %swap3A_160 = arith.constant 0 : index
      %swap3A_161 = memref.load %arg4[%swap3A_159, %swap3A_160] : memref<1x1xf32, #tpu.memory_space<smem>>
      memref.store %add3A_158, %arg4[%swap3A_159, %swap3A_160] : memref<1x1xf32, #tpu.memory_space<smem>>
    } else {
    }
    return
  }
  func.func @transform_0(%arg0: i32) -> (i32, i32, i32) {
    %c0_i32 = arith.constant 0 : i32
    %c0_i32_0 = arith.constant 0 : i32
    %c0_i32_1 = arith.constant 0 : i32
    return %arg0, %c0_i32, %c0_i32_0 : i32, i32, i32
  }
  func.func @transform_1(%arg0: i32) -> (i32, i32) {
    %c0_i32 = arith.constant 0 : i32
    %c0_i32_0 = arith.constant 0 : i32
    %c0_i32_1 = arith.constant 0 : i32
    return %c0_i32, %c0_i32_0 : i32, i32
  }
  func.func @transform_2(%arg0: i32) -> (i32, i32) {
    %c0_i32 = arith.constant 0 : i32
    %c0_i32_0 = arith.constant 0 : i32
    return %arg0, %c0_i32 : i32, i32
  }
  func.func @transform_3(%arg0: i32) -> (i32, i32) {
    %c0_i32 = arith.constant 0 : i32
    %c0_i32_0 = arith.constant 0 : i32
    %c0_i32_1 = arith.constant 0 : i32
    return %c0_i32, %c0_i32_0 : i32, i32
  }
}

</mosaic_0001>

<sc_bundles>
// kernel: kernel.4.cloned.1.call-start
scs
__scs_entry_jumppad:
0x0: {  	(pc) =	sbr.rel $0x88, $3  }
0x1: {  	(tag) =	ssettag $0x0;
	lr =	simm.s32 $0x1  }
0x2: {  	[smem:$0x3F9F] =	sst lr;
	_ =	strace $0xD0000000  }
0x3: {  	_ = 	snop  }
0x4: {  	_ = 	snop  }
0x5: {  	_ = 	snop  }
0x6: {  	_ = 	snop  }
0x7: {  	_ = 	snop  }
__scs_overlays_trampoline_lowered:
0x8: {  	[smem:$0x3FAE] =	sst s0  }
0x9: {  	[smem:$0x3FAF] =	sst s1  }
0xa: {  	[smem:$0x3FB0] =	sst s2  }
0xb: {  	[smem:$0x3FB1] =	sst s3  }
0xc: {  	[smem:$0x3FB2] =	sst s4  }
0xd: {  	[smem:$0x3FB3] =	sst s5  }
0xe: {  	[smem:$0x3FB4] =	sst s6  }
0xf: {  	[smem:$0x3FB5] =	sst s7  }
0x10: {  	[smem:$0x3FB6] =	sst s8  }
0x11: {  	[smem:$0x3FB7] =	sst s9;
	s0 =	simm.s32 @!p0 $0x0  }
0x12: {  	s1 =	sld [smem:$0x3F9D];
	s0 =	simm.s32 @p0 $0x1  }
0x13: {  	[smem:$0x3FB8] =	sst s0;
	s0 =	simm.s32 @!p1 $0x0  }
0x14: {  	s2 =	sld [smem:$0x3F9C];
	s0 =	simm.s32 @p1 $0x1  }
0x15: {  	[smem:$0x3FB9] =	sst s0;
	s0 =	simm.s32 @!p2 $0x0  }
0x16: {  	s3 =	sld [smem:$0x3FDB];
	s0 =	simm.s32 @p2 $0x1  }
0x17: {  	s4 =	simm.s32 $0x1BF5;
	[smem:$0x3FBB] =	sst s0  }
0x18: {  	s0 =	sld [smem:$0x3F9E];
	_ =	swait.ge [sflag:s4], $0x0  }
0x19: {  	s7 =	sld [smem:$0x3F9F]  }
0x1a: {  	s8 =	sadd.s32 $0xFFFFE003, lr  }
0x1b: {  	s9 =	sadd.s32 $0xFFFFFEF7, lr;
	s5 =	simm.s32 $0xFFFFFFFF;
	p2 =	slt.u32 s8, $0xFFFFF086  }
0x1c: {  	p1 =	slt.u32 s9, $0xF7A;
	s5 =	simm.s32 @!p2 $0x0  }
0x1d: {  	s5 =	simm.s32 @p1 $0x1;
	p0 =	seq.s32 s7, s2  }
0x1e: {  	s7 =	smul.u32 @!p0 $0xF7A, s2;
	p2 =	seq.s32 @!p0 s5, $0x0  }
0x1f: {  	s9 =	smul.u32 $0xF7A, s1;
	s8 =	simm.s32 @!p0 $0x1BF5;
	p2 =	por !p2, p0  }
0x20: {  	[sflag:s8] =	ssyncset.s32 @!p0 $0xFFFFF086;
	s6 =	sadd.s32 @!p0 s3, s7;
	s7 =	simm.s32 @!p0 $0x108  }
0x21: {  	s3 =	sadd.s32 s3, s9;
	s6 =	sadd.s32 @!p0 $0x88, s6;
	s7 =	simm.s32 @p2 $0x1082  }
0x22: {  	[simem:s7], [sflag:s8] =	dma.local @!p0 [hbm:s6], $0xF7A  }
0x23: {  	s9 =	sor.u32 $0xD0000000, s2;
	s6 =	simm.s32 $0x108;
	_ =	swait.ge @!p0 [sflag:s8], $0x0  }
0x24: {  	s3 =	sadd.s32 $0x88, s3;
	s6 =	simm.s32 @!p1 $0x1082;
	[sflag:s4] =	ssyncset.s32 $0xFFFFF086  }
0x25: {  	[simem:s6], [sflag:s4] =	dma.local [hbm:s3], $0xF7A  }
0x26: {  	[smem:$0x3F9F] =	sst s1;
	(tag) =	ssettag s2;
	_ =	strace s9  }
0x27: {  	s1 =	sld [smem:$0x3FAF]  }
0x28: {  	s2 =	sld [smem:$0x3FB0]  }
0x29: {  	s4 =	sld [smem:$0x3FB2]  }
0x2a: {  	p0 =	seq.s32 s5, $0x0;
	s5 =	sld [smem:$0x3FB3]  }
0x2b: {  	s6 =	sld [smem:$0x3FB4]  }
0x2c: {  	s7 =	sld [smem:$0x3FB5]  }
0x2d: {  	s3 =	simm.s32 $0x108;
	s8 =	sld [smem:$0x3FB6]  }
0x2e: {  	s3 =	simm.s32 @!p0 $0x1082;
	s9 =	sld [smem:$0x3FB7]  }
0x2f: {  	lr =	sadd.s32 s0, s3;
	s0 =	sld [smem:$0x3FAE]  }
0x30: {  	s3 =	sld [smem:$0x3FB1]  }
0x31: {  	[smem:$0x3FBA] =	sst s10  }
0x32: {  	s10 =	sld [smem:$0x3FB8];
	_ =	sdelay $0x3  }
0x33: {  	p0 =	seq.s32 s10, $0x1;
	s10 =	sld [smem:$0x3FBA];
	_ =	sdelay $0x3  }
0x34: {  	[smem:$0x3FBA] =	sst s10  }
0x35: {  	s10 =	sld [smem:$0x3FB9];
	_ =	sdelay $0x3  }
0x36: {  	p1 =	seq.s32 s10, $0x1;
	s10 =	sld [smem:$0x3FBA];
	_ =	sdelay $0x3  }
0x37: {  	[smem:$0x3FBA] =	sst s10  }
0x38: {  	s10 =	sld [smem:$0x3FBB]  }
0x39: {  	_ = 	snop;
	(pc) =	sbr.ind lr, $3  }
0x3a: {  	_ = 	snop  }
0x3b: {  	_ = 	snop  }
0x3c: {  	p2 =	seq.s32 s10, $0x1;
	s10 =	sld [smem:$0x3FBA]  }
0x3d: {  	_ =	shalt  }
0x3e: {  	_ =	shalt  }
0x3f: {  	_ =	shalt  }
0x40: {  	_ =	shalt  }
0x41: {  	_ =	shalt  }
0x42: {  	_ =	shalt  }
0x43: {  	_ =	shalt  }
0x44: {  	_ =	shalt  }
0x45: {  	_ =	shalt  }
0x46: {  	_ =	shalt  }
0x47: {  	_ =	shalt  }
0x48: {  	_ =	shalt  }
0x49: {  	_ =	shalt  }
0x4a: {  	_ =	shalt  }
0x4b: {  	_ =	shalt  }
0x4c: {  	_ =	shalt  }
0x4d: {  	_ =	shalt  }
0x4e: {  	_ =	shalt  }
0x4f: {  	_ =	shalt  }
0x50: {  	_ =	shalt  }
0x51: {  	_ =	shalt  }
0x52: {  	_ =	shalt  }
0x53: {  	_ =	shalt  }
0x54: {  	_ =	shalt  }
0x55: {  	_ =	shalt  }
0x56: {  	_ =	shalt  }
0x57: {  	_ =	shalt  }
0x58: {  	_ =	shalt  }
0x59: {  	_ =	shalt  }
0x5a: {  	_ =	shalt  }
0x5b: {  	_ =	shalt  }
0x5c: {  	_ =	shalt  }
0x5d: {  	_ =	shalt  }
0x5e: {  	_ =	shalt  }
0x5f: {  	_ =	shalt  }
0x60: {  	_ =	shalt  }
0x61: {  	_ =	shalt  }
0x62: {  	_ =	shalt  }
0x63: {  	_ =	shalt  }
0x64: {  	_ =	shalt  }
0x65: {  	_ =	shalt  }
0x66: {  	_ =	shalt  }
0x67: {  	_ =	shalt  }
0x68: {  	_ =	shalt  }
0x69: {  	_ =	shalt  }
0x6a: {  	_ =	shalt  }
0x6b: {  	_ =	shalt  }
0x6c: {  	_ =	shalt  }
0x6d: {  	_ =	shalt  }
0x6e: {  	_ =	shalt  }
0x6f: {  	_ =	shalt  }
0x70: {  	_ =	shalt  }
0x71: {  	_ =	shalt  }
0x72: {  	_ =	shalt  }
0x73: {  	_ =	shalt  }
0x74: {  	_ =	shalt  }
0x75: {  	_ =	shalt  }
0x76: {  	_ =	shalt  }
0x77: {  	_ =	shalt  }
0x78: {  	_ =	shalt  }
0x79: {  	_ =	shalt  }
0x7a: {  	_ =	shalt  }
0x7b: {  	_ =	shalt  }
0x7c: {  	_ =	shalt  }
0x7d: {  	_ =	shalt  }
0x7e: {  	_ =	shalt  }
0x7f: {  	_ =	shalt  }
0x80: {  	_ =	shalt  }
0x81: {  	_ =	shalt  }
0x82: {  	_ =	shalt  }
0x83: {  	_ =	shalt  }
0x84: {  	_ =	shalt  }
0x85: {  	_ =	shalt  }
0x86: {  	_ =	shalt  }
0x87: {  	_ =	shalt  }
.Lfunc_end0:
.L_simem_size_0:
called_computation_lowered:
.L_overlay_start_0:
0x88: {  	s2 =	sld [smem:$0x3FD9]  }
0x89: {  	s3 =	sld [smem:$0x3FFE];
	_ =	sdelay $0x1  }
0x8a: {  	s1 =	srdreg.scid  }
0x8b: {  	s0 =	sand.u32 $0x1, s1  }
0x8c: {  	s14 =	sshll.u32 s0, $0xA;
	s2 =	sadd.s32 s3, s2  }
0x8d: {  	s2 =	sadd.s32 s2, s14  }
0x8e: {  	[smem:$0x3FC6] =	sst s2  }
0x8f: {  	_ = 	snop  }
0x90: {  	s2 =	sld [smem:$0x3FD0];
	_ =	sdelay $0x2  }
0x91: {  	s4 =	simm.s32 $0xA;
	s5 =	simm.s32 $0x10;
	s15 =	sld [smem:$0x3FC8]  }
0x92: {  	[smem:s5], [sflag:s4] =	dma.local [hbm:s2], $0x1  }
0x93: {  	_ =	swait.eq [sflag:s4], $0x1  }
0x94: {  	[sflag:s4] =	ssyncset.done $0x0  }
0x95: {  	[sflag:s4] =	ssyncadd.s32 $0xFFFFFFFF  }
0x96: {  	s16 =	sld [smem:$0x10];
	(tm) =	ssettm $0x1  }
0x97: {  	s17 =	sld [smem:$0x3FFB];
	_ =	sdelay $0x3  }
0x98: {  	_ =	strace s17  }
0x99: {  	s4 =	sld [smem:$0x3FFC];
	_ =	sdelay $0x3  }
0x9a: {  	_ =	strace s4  }
0x9b: {  	s4 =	sld [smem:$0x3FFD];
	_ =	sdelay $0x3  }
0x9c: {  	_ =	strace s4  }
0x9d: {  	_ =	strace $0x8FFFFFFF  }
0x9e: {  	s18 =	sld [smem:$0x3FDB];
	_ =	sdelay $0x1  }
0x9f: {  	s19 =	simm.s32 $_scs_section_size  }
0xa0: {  	s6 =	simm.s32 $_size__tile_overlayer_lowered;
	s7 =	simm.s32 $_tile_overlayer_lowered  }
0xa1: {  	s22 =	simm.s32 $0x1BFF;
	s21 =	sshll.u32 s7, $0x1;
	s4 =	sadd.s32 s19, s18  }
0xa2: {  	s8 =	simm.s32 $0x0;
	s20 =	sshll.u32 s6, $0x1;
	s6 =	sadd.s32 s21, s4  }
0xa3: {  	[timem:s8], [sflag:s22] =	dma.local [hbm:s6], s20  }
0xa4: {  	_ =	swait.ge [sflag:s22], s20  }
0xa5: {  	s5 =	ssub.s32 $0x0, s20;
	[sflag:s22] =	ssyncset.done $0x0  }
0xa6: {  	[sflag:s22] =	ssyncadd.s32 s5;
	_ =	sdelay $0x1  }
0xa7: {  	s23 =	simm.s32 $0x1B8B  }
0xa8: {  	_ =	swait.ge [sflag:s23], $0x1  }
0xa9: {  	[sflag:s23] =	ssyncset.done $0x0  }
0xaa: {  	s25 =	simm.s32 $0x1B8E;
	s24 =	sld [smem:$0x3FFE];
	[sflag:s23] =	ssyncadd.s32 $0xFFFFFFFF  }
0xab: {  	s26 =	simm.s32 $execute0_lowered;
	[smem:$0x3FD2] =	sst s25  }
0xac: {  	s6 =	sshll.u32 s26, $0x1;
	_ =	strace $0x80000046;
	[dreg:$0x1] =	wrdreg $0xFFFFFFFF  }
0xad: {  	s28 =	simm.s32 $_size_execute0_lowered;
	s4 =	sadd.s32 s4, s6;
	[dreg:$0x0] =	wrdreg $0x0  }
0xae: {  	s6 =	sshll.u32 s28, $0x1;
	[dreg:$0x2] =	wrdreg s4  }
0xaf: {  	[dreg:$0x3] =	wrdreg s6  }
0xb0: {  	[dreg:$0x4] =	wrdreg $0xC0  }
0xb1: {  	_ =	task [dreg:s8], $0x5FFFF  }
0xb2: {  	[dreg:$0x1] =	wrdreg $0xFFFFFFFF  }
0xb3: {  	[dreg:$0x0] =	wrdreg $0x60  }
0xb4: {  	[dreg:$0x2] =	wrdreg s15  }
0xb5: {  	[dreg:$0x3] =	wrdreg s24  }
0xb6: {  	[dreg:$0x4] =	wrdreg s16  }
0xb7: {  	[dreg:$0x5] =	wrdreg $0x9  }
0xb8: {  	_ =	task.clear_ibuf [dreg:s8], $0x6FFFF;
	_ =	strace $0x90000046  }
0xb9: {  	s29 =	simm.s32 $0x9;
	_ =	strace $0x80000048  }
0xba: {  	_ =	swait.ge [sflag:s29], $0x1  }
0xbb: {  	[sflag:s29] =	ssyncadd.s32 $0xFFFFFFFF  }
0xbc: {  	_ =	strace $0x90000048  }
0xbd: {  	_ =	sfence  }
0xbe: {  	s30 =	sld [smem:$0x0];
	_ =	sdelay $0x2  }
0xbf: {  	s31 =	sshll.u32 s1, $0xD;
	s1 =	sshrl.u32 s1, $0x2  }
0xc0: {  	s3 =	sand.u32 $0x4000, s31;
	s1 =	sadd.s32 s1, s30  }
0xc1: {  	s0 =	sor.u32 s3, s0;
	s1 =	sshll.u32 s1, $0x11  }
0xc2: {  	s0 =	sor.u32 s1, s0  }
0xc3: {  	s0 =	sadd.s32 $0x8F2B, s0  }
0xc4: {  	[sflag:s0] =	ssyncadd.remote.s32 $0x1  }
0xc5: {  	_ =	sfence.sel $0xFFFF  }
0xc6: {  	[dreg:$0x0] =	wrdreg $0xFFFFFFFF;
	(pc) =	sbr.abs _section_cstart, $3  }
0xc7: {  	[dreg:$0x1] =	wrdreg $0xFFFFFFFF  }
0xc8: {  	_ =	task.clear_ibuf [dreg:s8], $0x2FFFF;
	_ =	strace $0x9FFFFFFF  }
0xc9: {  	(tm) =	ssettm $0x7FFFFFFF  }
tec
execute0_lowered:
.L_overlay_start_1:
0x0: {  	(tag) =	ssettag $0x1  }
0x1: {  	s1 =	rddreg [dreg:$0x0]  }
0x2: {  	s2 =	srdreg.scid;
	s4 =	rddreg [dreg:$0x1]  }
0x3: {  	s0 =	stileid.u32;
	s6 =	rddreg [dreg:$0x2];
	s19 =	simm.s32 $0x900  }
0x4: {  	s20 =	simm.s32 $0x1100;
	s21 =	simm.s32 $0x1900;
	s23 =	simm.s32 $0x2100  }
0x5: {  	s24 =	simm.s32 $0x2900;
	s25 =	simm.s32 $0x3100;
	s26 =	simm.s32 $0x3900  }
0x6: {  	s8 =	simm.s32 $0x4900;
	s9 =	simm.s32 $0x5100;
	s10 =	simm.s32 $0x5900  }
0x7: {  	s11 =	simm.s32 $0x6100;
	s12 =	simm.s32 $0x6900;
	s13 =	simm.s32 $0x7100  }
0x8: {  	s14 =	simm.s32 $0x7900;
	s15 =	simm.s32 $0x1;
	s2 =	sand.u32 $0x1, s2  }
0x9: {  	s16 =	simm.s32 $0x8100;
	s3 =	sshll.u32 s0, $0x2;
	s5 =	sshll.u32 s2, $0x1  }
0xa: {  	s17 =	simm.s32 $0x8900;
	s5 =	sor.u32 s5, s3;
	s3 =	simm.s32 $0x0  }
0xb: {  	s28 =	simm.s32 $0xD900;
	s29 =	simm.s32 $0xE100;
	[smem:$0x7FF] =	sst s3  }
0xc: {  	s30 =	simm.s32 $0xE900;
	_ =	strace $0x80000047;
	[dreg:$0x6] =	wrdreg s19  }
0xd: {  	s31 =	simm.s32 $0xF100;
	s2 =	ssub.s32 $0x2, s2;
	[dreg:$0x7] =	wrdreg s20  }
0xe: {  	s22 =	sshrl.u32 s2, $0x1;
	s7 =	sshll.u32 s5, $0x4;
	[dreg:$0x8] =	wrdreg s21  }
0xf: {  	s5 =	sshll.u32 s5, $0xC;
	s2 =	ssub.s32 s2, s22;
	[dreg:$0x9] =	wrdreg s23  }
0x10: {  	s22 =	simm.s32 $0xB100;
	s4 =	sadd.s32 s7, s4;
	[dreg:$0xa] =	wrdreg s24  }
0x11: {  	s18 =	sadd.s32 s6, s5;
	s5 =	simm.s32 $0x2;
	[dreg:$0xb] =	wrdreg s25  }
0x12: {  	s6 =	simm.s32 $0x100;
	[dreg:$0xc] =	wrdreg s26;
	s19 =	simm.s32 $0x9900  }
0x13: {  	s20 =	simm.s32 $0xA100;
	s21 =	simm.s32 $0xA900;
	s23 =	simm.s32 $0xB900  }
0x14: {  	v2 =	vlaneseq.u32;
	s24 =	simm.s32 $0xC100;
	s25 =	simm.s32 $0xC900;
	s26 =	simm.s32 $0xD100  }
0x15: {  	vm0 =	vmmov $0xffff;
	v1 =	vshrl.u32 v2, $0x3;
	s4 =	sadd.s32 $0xC00, s4;
	[dreg:$0x5] =	wrdreg s18;
	s18 =	simm.s32 $0x9100  }
0x16: {  	v0 =	vand.u32 $0x7, v2;
	v2 =	vor.u32 $0x8, v2;
	v1 =	vmul.u32 $0x8, v1;
	[dreg:$0x4] =	wrdreg s4;
	s4 =	smax.u32 s2, $0x1;
	s2 =	simm.s32 $0xF900  }
.LBB2_1:
0x17: {  	s0 =	rddreg [dreg:$0x4]  }
0x18: {  	[tilespmem:s3], [sflag:$0x2] =	stream.linear.gather [hbm4b:s0+s3], $0x100, $0x38;
	[tilespmem:$0x10100] =	vst v63  }
0x19: {  	_ =	swait.ge [sflag:s5], $0x100  }
0x1a: {  	[sflag:s5] =	ssyncset.done $0x0  }
0x1b: {  	[sflag:s5] =	ssyncadd.s32 $0xFFFFFF00  }
0x1c: {  	v3 =	vld [tilespmem:$0x0];
	_ =	sdelay $0x4  }
0x1d: {  	v4 =	vshll.u32 v3, $0x1  }
0x1e: {  	v3 =	vand.u32 $0x7, v3;
	v4 =	vand.u32 $0xFFFFFFF0, v4  }
0x1f: {  	v3 =	vor.u32 v3, v4  }
0x20: {  	v4 =	vperm.xlane v3, v0;
	_ =	sdelay $0x1  }
0x21: {  	v3 =	vperm.xlane v3, v2;
	v4 =	vadd.s32 v1, v4;
	_ =	sdelay $0x1  }
0x22: {  	v3 =	vadd.s32 v1, v3;
	_ =	sdelay $0x2  }
0x23: {  	[tilespmem:s6], [sflag:$0x1] =	stream.indirect_vreg.gather [hbm4b:s1+s3], $0x80, v4, vm0, $0xb8;
	[tilespmem:$0x10100] =	vst v63  }
0x24: {  	s7 =	rddreg [dreg:$0x6]  }
0x25: {  	[tilespmem:s7], [sflag:$0x1] =	stream.indirect_vreg.gather [hbm4b:s1+s3], $0x80, v3, vm0, $0xb8;
	[tilespmem:$0x10100] =	vst v63  }
0x26: {  	v3 =	vld [tilespmem:$0x10];
	_ =	sdelay $0x4  }
0x27: {  	v49 =	vshll.u32 v3, $0x1  }
0x28: {  	v3 =	vand.u32 $0x7, v3;
	v4 =	vand.u32 $0xFFFFFFF0, v49  }
0x29: {  	v3 =	vor.u32 v3, v4  }
0x2a: {  	v4 =	vperm.xlane v3, v0;
	_ =	sdelay $0x1  }
0x2b: {  	v3 =	vperm.xlane v3, v2;
	v4 =	vadd.s32 v1, v4;
	_ =	sdelay $0x1  }
0x2c: {  	v3 =	vadd.s32 v1, v3;
	_ =	sdelay $0x1  }
0x2d: {  	s0 =	rddreg [dreg:$0x7]  }
0x2e: {  	[tilespmem:s0], [sflag:$0x1] =	stream.indirect_vreg.gather [hbm4b:s1+s3], $0x80, v4, vm0, $0xb8;
	[tilespmem:$0x10100] =	vst v63  }
0x2f: {  	s7 =	rddreg [dreg:$0x8]  }
0x30: {  	[tilespmem:s7], [sflag:$0x1] =	stream.indirect_vreg.gather [hbm4b:s1+s3], $0x80, v3, vm0, $0xb8;
	[tilespmem:$0x10100] =	vst v63  }
0x31: {  	v3 =	vld [tilespmem:$0x20];
	_ =	sdelay $0x4  }
0x32: {  	v50 =	vshll.u32 v3, $0x1  }
0x33: {  	v3 =	vand.u32 $0x7, v3;
	v4 =	vand.u32 $0xFFFFFFF0, v50  }
0x34: {  	v3 =	vor.u32 v3, v4  }
0x35: {  	v4 =	vperm.xlane v3, v0;
	_ =	sdelay $0x1  }
0x36: {  	v3 =	vperm.xlane v3, v2;
	v4 =	vadd.s32 v1, v4;
	_ =	sdelay $0x1  }
0x37: {  	v3 =	vadd.s32 v1, v3;
	_ =	sdelay $0x1  }
0x38: {  	s0 =	rddreg [dreg:$0x9]  }
0x39: {  	[tilespmem:s0], [sflag:$0x1] =	stream.indirect_vreg.gather [hbm4b:s1+s3], $0x80, v4, vm0, $0xb8;
	[tilespmem:$0x10100] =	vst v63  }
0x3a: {  	s7 =	rddreg [dreg:$0xa]  }
0x3b: {  	[tilespmem:s7], [sflag:$0x1] =	stream.indirect_vreg.gather [hbm4b:s1+s3], $0x80, v3, vm0, $0xb8;
	[tilespmem:$0x10100] =	vst v63  }
0x3c: {  	v3 =	vld [tilespmem:$0x30];
	_ =	sdelay $0x4  }
0x3d: {  	v51 =	vshll.u32 v3, $0x1  }
0x3e: {  	v3 =	vand.u32 $0x7, v3;
	v4 =	vand.u32 $0xFFFFFFF0, v51  }
0x3f: {  	v3 =	vor.u32 v3, v4  }
0x40: {  	v4 =	vperm.xlane v3, v0;
	_ =	sdelay $0x1  }
0x41: {  	v3 =	vperm.xlane v3, v2;
	v4 =	vadd.s32 v1, v4;
	_ =	sdelay $0x1  }
0x42: {  	v3 =	vadd.s32 v1, v3;
	_ =	sdelay $0x1  }
0x43: {  	s0 =	rddreg [dreg:$0xb]  }
0x44: {  	[tilespmem:s0], [sflag:$0x1] =	stream.indirect_vreg.gather [hbm4b:s1+s3], $0x80, v4, vm0, $0xb8;
	[tilespmem:$0x10100] =	vst v63  }
0x45: {  	s7 =	rddreg [dreg:$0xc]  }
0x46: {  	[tilespmem:s7], [sflag:$0x1] =	stream.indirect_vreg.gather [hbm4b:s1+s3], $0x80, v3, vm0, $0xb8;
	[tilespmem:$0x10100] =	vst v63  }
0x47: {  	v3 =	vld [tilespmem:$0x40];
	_ =	sdelay $0x4  }
0x48: {  	v52 =	vshll.u32 v3, $0x1  }
0x49: {  	v3 =	vand.u32 $0x7, v3;
	v4 =	vand.u32 $0xFFFFFFF0, v52  }
0x4a: {  	v3 =	vor.u32 v3, v4  }
0x4b: {  	v4 =	vperm.xlane v3, v0;
	_ =	sdelay $0x1  }
0x4c: {  	v3 =	vperm.xlane v3, v2;
	v4 =	vadd.s32 v1, v4;
	_ =	sdelay $0x1  }
0x4d: {  	v3 =	vadd.s32 v1, v3;
	_ =	sdelay $0x1  }
0x4e: {  	s7 =	simm.s32 $0x4100  }
0x4f: {  	[tilespmem:s7], [sflag:$0x1] =	stream.indirect_vreg.gather [hbm4b:s1+s3], $0x80, v4, vm0, $0xb8;
	[tilespmem:$0x10100] =	vst v63  }
0x50: {  	_ = 	snop  }
0x51: {  	[tilespmem:s8], [sflag:$0x1] =	stream.indirect_vreg.gather [hbm4b:s1+s3], $0x80, v3, vm0, $0xb8;
	[tilespmem:$0x10100] =	vst v63  }
0x52: {  	v3 =	vld [tilespmem:$0x50];
	_ =	sdelay $0x4  }
0x53: {  	v53 =	vshll.u32 v3, $0x1  }
0x54: {  	v3 =	vand.u32 $0x7, v3;
	v4 =	vand.u32 $0xFFFFFFF0, v53  }
0x55: {  	v3 =	vor.u32 v3, v4  }
0x56: {  	v4 =	vperm.xlane v3, v0;
	_ =	sdelay $0x1  }
0x57: {  	v3 =	vperm.xlane v3, v2;
	v4 =	vadd.s32 v1, v4;
	_ =	sdelay $0x1  }
0x58: {  	v3 =	vadd.s32 v1, v3;
	_ =	sdelay $0x2  }
0x59: {  	[tilespmem:s9], [sflag:$0x1] =	stream.indirect_vreg.gather [hbm4b:s1+s3], $0x80, v4, vm0, $0xb8;
	[tilespmem:$0x10100] =	vst v63  }
0x5a: {  	_ = 	snop  }
0x5b: {  	[tilespmem:s10], [sflag:$0x1] =	stream.indirect_vreg.gather [hbm4b:s1+s3], $0x80, v3, vm0, $0xb8;
	[tilespmem:$0x10100] =	vst v63  }
0x5c: {  	v3 =	vld [tilespmem:$0x60];
	_ =	sdelay $0x4  }
0x5d: {  	v54 =	vshll.u32 v3, $0x1  }
0x5e: {  	v3 =	vand.u32 $0x7, v3;
	v4 =	vand.u32 $0xFFFFFFF0, v54  }
0x5f: {  	v3 =	vor.u32 v3, v4  }
0x60: {  	v4 =	vperm.xlane v3, v0;
	_ =	sdelay $0x1  }
0x61: {  	v3 =	vperm.xlane v3, v2;
	v4 =	vadd.s32 v1, v4;
	_ =	sdelay $0x1  }
0x62: {  	v3 =	vadd.s32 v1, v3;
	_ =	sdelay $0x2  }
0x63: {  	[tilespmem:s11], [sflag:$0x1] =	stream.indirect_vreg.gather [hbm4b:s1+s3], $0x80, v4, vm0, $0xb8;
	[tilespmem:$0x10100] =	vst v63  }
0x64: {  	_ = 	snop  }
0x65: {  	[tilespmem:s12], [sflag:$0x1] =	stream.indirect_vreg.gather [hbm4b:s1+s3], $0x80, v3, vm0, $0xb8;
	[tilespmem:$0x10100] =	vst v63  }
0x66: {  	v3 =	vld [tilespmem:$0x70];
	_ =	sdelay $0x4  }
0x67: {  	v55 =	vshll.u32 v3, $0x1  }
0x68: {  	v3 =	vand.u32 $0x7, v3;
	v4 =	vand.u32 $0xFFFFFFF0, v55  }
0x69: {  	v3 =	vor.u32 v3, v4  }
0x6a: {  	v4 =	vperm.xlane v3, v0;
	_ =	sdelay $0x1  }
0x6b: {  	v3 =	vperm.xlane v3, v2;
	v4 =	vadd.s32 v1, v4;
	_ =	sdelay $0x1  }
0x6c: {  	v3 =	vadd.s32 v1, v3;
	_ =	sdelay $0x2  }
0x6d: {  	[tilespmem:s13], [sflag:$0x1] =	stream.indirect_vreg.gather [hbm4b:s1+s3], $0x80, v4, vm0, $0xb8;
	[tilespmem:$0x10100] =	vst v63  }
0x6e: {  	_ = 	snop  }
0x6f: {  	[tilespmem:s14], [sflag:$0x1] =	stream.indirect_vreg.gather [hbm4b:s1+s3], $0x80, v3, vm0, $0xb8;
	[tilespmem:$0x10100] =	vst v63  }
0x70: {  	_ =	swait.ge [sflag:s15], $0x8000  }
0x71: {  	[sflag:s15] =	ssyncset.done $0x0  }
0x72: {  	[sflag:s15] =	ssyncadd.s32 $0xFFFF8000  }
0x73: {  	v3 =	vld [tilespmem:$0x80];
	_ =	sdelay $0x4  }
0x74: {  	v56 =	vshll.u32 v3, $0x1  }
0x75: {  	v3 =	vand.u32 $0x7, v3;
	v4 =	vand.u32 $0xFFFFFFF0, v56  }
0x76: {  	v3 =	vor.u32 v3, v4  }
0x77: {  	v4 =	vperm.xlane v3, v0;
	_ =	sdelay $0x1  }
0x78: {  	v3 =	vperm.xlane v3, v2;
	v4 =	vadd.s32 v1, v4;
	_ =	sdelay $0x1  }
0x79: {  	v3 =	vadd.s32 v1, v3;
	_ =	sdelay $0x2  }
0x7a: {  	[tilespmem:s16], [sflag:$0x1] =	stream.indirect_vreg.gather [hbm4b:s1+s3], $0x80, v4, vm0, $0xb8;
	[tilespmem:$0x10100] =	vst v63  }
0x7b: {  	_ = 	snop  }
0x7c: {  	[tilespmem:s17], [sflag:$0x1] =	stream.indirect_vreg.gather [hbm4b:s1+s3], $0x80, v3, vm0, $0xb8;
	[tilespmem:$0x10100] =	vst v63  }
0x7d: {  	v3 =	vld [tilespmem:$0x90];
	_ =	sdelay $0x4  }
0x7e: {  	v57 =	vshll.u32 v3, $0x1  }
0x7f: {  	v3 =	vand.u32 $0x7, v3;
	v4 =	vand.u32 $0xFFFFFFF0, v57  }
0x80: {  	v3 =	vor.u32 v3, v4  }
0x81: {  	v4 =	vperm.xlane v3, v0;
	_ =	sdelay $0x1  }
0x82: {  	v3 =	vperm.xlane v3, v2;
	v4 =	vadd.s32 v1, v4;
	_ =	sdelay $0x1  }
0x83: {  	v3 =	vadd.s32 v1, v3;
	_ =	sdelay $0x2  }
0x84: {  	[tilespmem:s18], [sflag:$0x1] =	stream.indirect_vreg.gather [hbm4b:s1+s3], $0x80, v4, vm0, $0xb8;
	[tilespmem:$0x10100] =	vst v63  }
0x85: {  	_ = 	snop  }
0x86: {  	[tilespmem:s19], [sflag:$0x1] =	stream.indirect_vreg.gather [hbm4b:s1+s3], $0x80, v3, vm0, $0xb8;
	[tilespmem:$0x10100] =	vst v63  }
0x87: {  	v3 =	vld [tilespmem:$0xA0];
	_ =	sdelay $0x4  }
0x88: {  	v58 =	vshll.u32 v3, $0x1  }
0x89: {  	v3 =	vand.u32 $0x7, v3;
	v4 =	vand.u32 $0xFFFFFFF0, v58  }
0x8a: {  	v3 =	vor.u32 v3, v4  }
0x8b: {  	v4 =	vperm.xlane v3, v0;
	_ =	sdelay $0x1  }
0x8c: {  	v3 =	vperm.xlane v3, v2;
	v4 =	vadd.s32 v1, v4;
	_ =	sdelay $0x1  }
0x8d: {  	v3 =	vadd.s32 v1, v3;
	_ =	sdelay $0x2  }
0x8e: {  	[tilespmem:s20], [sflag:$0x1] =	stream.indirect_vreg.gather [hbm4b:s1+s3], $0x80, v4, vm0, $0xb8;
	[tilespmem:$0x10100] =	vst v63  }
0x8f: {  	_ = 	snop  }
0x90: {  	[tilespmem:s21], [sflag:$0x1] =	stream.indirect_vreg.gather [hbm4b:s1+s3], $0x80, v3, vm0, $0xb8;
	[tilespmem:$0x10100] =	vst v63  }
0x91: {  	v3 =	vld [tilespmem:$0xB0];
	_ =	sdelay $0x4  }
0x92: {  	v59 =	vshll.u32 v3, $0x1  }
0x93: {  	v3 =	vand.u32 $0x7, v3;
	v4 =	vand.u32 $0xFFFFFFF0, v59  }
0x94: {  	v3 =	vor.u32 v3, v4  }
0x95: {  	v4 =	vperm.xlane v3, v0;
	_ =	sdelay $0x1  }
0x96: {  	v3 =	vperm.xlane v3, v2;
	v4 =	vadd.s32 v1, v4;
	_ =	sdelay $0x1  }
0x97: {  	v3 =	vadd.s32 v1, v3;
	_ =	sdelay $0x2  }
0x98: {  	[tilespmem:s22], [sflag:$0x1] =	stream.indirect_vreg.gather [hbm4b:s1+s3], $0x80, v4, vm0, $0xb8;
	[tilespmem:$0x10100] =	vst v63  }
0x99: {  	_ = 	snop  }
0x9a: {  	[tilespmem:s23], [sflag:$0x1] =	stream.indirect_vreg.gather [hbm4b:s1+s3], $0x80, v3, vm0, $0xb8;
	[tilespmem:$0x10100] =	vst v63  }
0x9b: {  	v3 =	vld [tilespmem:$0xC0];
	_ =	sdelay $0x4  }
0x9c: {  	v60 =	vshll.u32 v3, $0x1  }
0x9d: {  	v3 =	vand.u32 $0x7, v3;
	v4 =	vand.u32 $0xFFFFFFF0, v60  }
0x9e: {  	v3 =	vor.u32 v3, v4  }
0x9f: {  	v4 =	vperm.xlane v3, v0;
	_ =	sdelay $0x1  }
0xa0: {  	v3 =	vperm.xlane v3, v2;
	v4 =	vadd.s32 v1, v4;
	_ =	sdelay $0x1  }
0xa1: {  	v3 =	vadd.s32 v1, v3;
	_ =	sdelay $0x2  }
0xa2: {  	[tilespmem:s24], [sflag:$0x1] =	stream.indirect_vreg.gather [hbm4b:s1+s3], $0x80, v4, vm0, $0xb8;
	[tilespmem:$0x10100] =	vst v63  }
0xa3: {  	_ = 	snop  }
0xa4: {  	[tilespmem:s25], [sflag:$0x1] =	stream.indirect_vreg.gather [hbm4b:s1+s3], $0x80, v3, vm0, $0xb8;
	[tilespmem:$0x10100] =	vst v63  }
0xa5: {  	v3 =	vld [tilespmem:$0xD0];
	_ =	sdelay $0x4  }
0xa6: {  	v61 =	vshll.u32 v3, $0x1  }
0xa7: {  	v3 =	vand.u32 $0x7, v3;
	v4 =	vand.u32 $0xFFFFFFF0, v61  }
0xa8: {  	v3 =	vor.u32 v3, v4  }
0xa9: {  	v4 =	vperm.xlane v3, v0;
	_ =	sdelay $0x1  }
0xaa: {  	v3 =	vperm.xlane v3, v2;
	v4 =	vadd.s32 v1, v4;
	_ =	sdelay $0x1  }
0xab: {  	v3 =	vadd.s32 v1, v3;
	_ =	sdelay $0x2  }
0xac: {  	[tilespmem:s26], [sflag:$0x1] =	stream.indirect_vreg.gather [hbm4b:s1+s3], $0x80, v4, vm0, $0xb8;
	[tilespmem:$0x10100] =	vst v63  }
0xad: {  	_ = 	snop  }
0xae: {  	[tilespmem:s28], [sflag:$0x1] =	stream.indirect_vreg.gather [hbm4b:s1+s3], $0x80, v3, vm0, $0xb8;
	[tilespmem:$0x10100] =	vst v63  }
0xaf: {  	v3 =	vld [tilespmem:$0xE0];
	_ =	sdelay $0x4  }
0xb0: {  	v62 =	vshll.u32 v3, $0x1  }
0xb1: {  	v3 =	vand.u32 $0x7, v3;
	v4 =	vand.u32 $0xFFFFFFF0, v62  }
0xb2: {  	v3 =	vor.u32 v3, v4  }
0xb3: {  	v4 =	vperm.xlane v3, v0;
	_ =	sdelay $0x1  }
0xb4: {  	v3 =	vperm.xlane v3, v2;
	v4 =	vadd.s32 v1, v4;
	_ =	sdelay $0x1  }
0xb5: {  	v3 =	vadd.s32 v1, v3;
	_ =	sdelay $0x2  }
0xb6: {  	[tilespmem:s29], [sflag:$0x1] =	stream.indirect_vreg.gather [hbm4b:s1+s3], $0x80, v4, vm0, $0xb8;
	[tilespmem:$0x10100] =	vst v63  }
0xb7: {  	_ = 	snop  }
0xb8: {  	[tilespmem:s30], [sflag:$0x1] =	stream.indirect_vreg.gather [hbm4b:s1+s3], $0x80, v3, vm0, $0xb8;
	[tilespmem:$0x10100] =	vst v63  }
0xb9: {  	v3 =	vld [tilespmem:$0xF0];
	_ =	sdelay $0x4  }
0xba: {  	v63 =	vshll.u32 v3, $0x1  }
0xbb: {  	v3 =	vand.u32 $0x7, v3;
	v4 =	vand.u32 $0xFFFFFFF0, v63  }
0xbc: {  	v3 =	vor.u32 v3, v4  }
0xbd: {  	v4 =	vperm.xlane v3, v0;
	_ =	sdelay $0x1  }
0xbe: {  	v3 =	vperm.xlane v3, v2;
	v4 =	vadd.s32 v1, v4;
	_ =	sdelay $0x1  }
0xbf: {  	v3 =	vadd.s32 v1, v3;
	_ =	sdelay $0x2  }
0xc0: {  	[tilespmem:s31], [sflag:$0x1] =	stream.indirect_vreg.gather [hbm4b:s1+s3], $0x80, v4, vm0, $0xb8;
	[tilespmem:$0x10100] =	vst v63  }
0xc1: {  	_ = 	snop  }
0xc2: {  	[tilespmem:s2], [sflag:$0x1] =	stream.indirect_vreg.gather [hbm4b:s1+s3], $0x80, v3, vm0, $0xb8;
	[tilespmem:$0x10100] =	vst v63  }
0xc3: {  	_ =	swait.ge [sflag:s15], $0x8000  }
0xc4: {  	p0 =	sne.s32 s4, $0x1;
	[sflag:s15] =	ssyncset.done $0x0  }
.Ltmp0:
0xc5: {  	s7 =	rddreg [dreg:$0x5];
	[sflag:s15] =	ssyncadd.s32 $0xFFFF8000;
	(pc) =	sbr.rel @p0 .LBB2_1-.Ltmp0, $4  }
0xc6: {  	[hbm4b:s7+s3] =	stream.linear.scatter [tilespmem:s6], [sflag:$0x2], $0x10000, $0x38;
	[tilespmem:$0x10100] =	vst v63  }
0xc7: {  	_ =	swait.ge [sflag:s5], $0x10000  }
0xc8: {  	[sflag:s5] =	ssyncset.done $0x0  }
0xc9: {  	s4 =	sadd.s32 $0xFFFFFFFF, s4;
	[sflag:s5] =	ssyncadd.s32 $0xFFFF0000  }
0xca: {  	_ =	sfence.sel $0x180000  }
0xcb: {  	[bflag:$0x0] =	sbarrier.arrive $0xFFFF  }
0xcc: {  	_ =	strace $0x90000047  }
0xcd: {  	s0 =	stileid.u32;
	[bflag:$0x2] =	sbarrier.arrive $0xFFFF  }
0xce: {  	p0 =	sne.s32 s0, $0x0;
	s0 =	rddreg [dreg:$0x3]  }
0xcf: {  	s0 =	sadd.s32 @!p0 $0x100000, s0  }
0xd0: {  	[sflag:s0] =	ssyncadd.tile.s32 @!p0 $0x1;
	_ =	shalt  }
.Lfunc_end2:
_tile_overlayer_lowered:
.L_overlay_start_2:
0xd1: {  	(tag) =	ssettag $0x2  }
0xd2: {  	s0 =	rddreg [dreg:$0x0];
	s2 =	stileid.u32  }
0xd3: {  	s1 =	rddreg [dreg:$0x1];
	p0 =	sne.s32 s2, $0x0  }
0xd4: {  	s3 =	rddreg [dreg:$0x2];
	[bflag:$0x3] =	sbarrier.arrive $0xFFFF;
	s2 =	simm.s32 @!p0 $0x1C02  }
0xd5: {  	[timem:s3], [sflag:s2] =	dma.local @!p0 [hbm:s0], s1  }
0xd6: {  	s0 =	simm.s32 @!p0 $0x2  }
0xd7: {  	_ =	swait.ge @!p0 [sflag:s0], s1  }
0xd8: {  	s1 =	ssub.s32 @!p0 $0x0, s1;
	[sflag:s0] =	ssyncset.done @!p0 $0x0  }
0xd9: {  	[sflag:s0] =	ssyncadd.s32 @!p0 s1  }
0xda: {  	[bflag:$0x3] =	sbarrier.arrive $0xFFFF  }
0xdb: {  	_ =	shalt  }

</sc_bundles>
